<compile_context>
chip_gen: v7x
topology: tpu7x:2x2x1
jax: 0.10.2.dev20260603
libtpu: 0.0.44.dev20260713+nightly
codegen_flags: <defaults>
</compile_context>

<pallas_src>
import functools

import jax
import jax.numpy as jnp
from jax import lax
from jax.experimental import pallas as pl
from jax.experimental.pallas import tpu as pltpu
from jax.experimental.pallas import tpu_sc as plsc

_LANES = 16
_CORES = 1
_SUBCORES = 16
_TILES = _CORES * _SUBCORES
_GCHUNK = 128


@functools.partial(jax.jit, static_argnames=("rows",))
def _sc_partials(table, idx, rew, *, rows):
    total_g = rows // _GCHUNK
    n_g = -(-total_g // _TILES)
    per_tile = n_g * _GCHUNK
    full_tiles = total_g // n_g
    rem_g = total_g - full_tiles * n_g

    mesh = plsc.VectorSubcoreMesh(
        core_axis_name="c", subcore_axis_name="s",
        num_cores=_CORES, num_subcores=_SUBCORES,
    )

    @functools.partial(
        pl.kernel,
        mesh=mesh,
        out_type=jax.ShapeDtypeStruct((_TILES, _LANES), jnp.float32),
        scratch_types=[
            pltpu.VMEM((per_tile,), jnp.int32),
            pltpu.VMEM((per_tile,), jnp.float32),
            pltpu.VMEM((n_g, _GCHUNK), jnp.float32),
            pltpu.VMEM((_LANES,), jnp.float32),
            pltpu.SemaphoreType.DMA,
        ],
    )
    def body(table_hbm, idx_hbm, rew_hbm, out_hbm,
             idx_v, rew_v, vals_v, part_v, sem):
        wid = lax.axis_index("s") * _CORES + lax.axis_index("c")
        base = wid * per_tile

        def start_descs(offsets):
            descs = [
                pltpu.make_async_copy(
                    table_hbm.at[idx_v.at[pl.ds(off, _GCHUNK)]],
                    vals_v.at[g], sem)
                for g, off in enumerate(offsets)
            ]
            for d in descs:
                d.start()

        active = full_tiles + (1 if rem_g else 0)

        @pl.when(wid < full_tiles)
        def _():
            n = n_g * _GCHUNK
            pltpu.sync_copy(idx_hbm.at[pl.ds(base, n)], idx_v)
            pltpu.sync_copy(rew_hbm.at[pl.ds(base, n)], rew_v)
            start_descs([g * _GCHUNK for g in range(n_g)])

        if rem_g:
            @pl.when(wid == full_tiles)
            def _():
                n = rem_g * _GCHUNK
                pltpu.sync_copy(idx_hbm.at[pl.ds(base, n)],
                                idx_v.at[pl.ds(0, n)])
                pltpu.sync_copy(rew_hbm.at[pl.ds(base, n)],
                                rew_v.at[pl.ds(0, n)])
                zero = jnp.zeros((_LANES,), jnp.float32)
                for j in range(n, n_g * _GCHUNK, _LANES):
                    rew_v[pl.ds(j, _LANES)] = zero
                start_descs([min(g, rem_g - 1) * _GCHUNK for g in range(n_g)])

        @pl.when(wid < active)
        def _():
            acc = jnp.zeros((_LANES,), jnp.float32)
            for g in range(n_g):
                pltpu.make_async_copy(
                    table_hbm.at[idx_v.at[pl.ds(0, _GCHUNK)]],
                    vals_v.at[g], sem).wait()
                for k in range(_GCHUNK // _LANES):
                    v = vals_v[g, pl.ds(k * _LANES, _LANES)]
                    w = rew_v[pl.ds(g * _GCHUNK + k * _LANES, _LANES)]
                    acc = acc + v * w
            part_v[...] = acc
            pltpu.sync_copy(part_v, out_hbm.at[wid])

        if active < _TILES:
            @pl.when(wid >= active)
            def _():
                part_v[...] = jnp.zeros((_LANES,), jnp.float32)
                pltpu.sync_copy(part_v, out_hbm.at[wid])

    return body(table, idx, rew)


def _reduce_body(p_ref, o_ref):
    o_ref[0, 0] = -jnp.sum(p_ref[...])


@jax.jit
def _tc_reduce(partials):
    out = pl.pallas_call(
        _reduce_body,
        out_shape=jax.ShapeDtypeStruct((1, 1), jnp.float32),
        out_specs=pl.BlockSpec(memory_space=pltpu.SMEM),
    )(partials)
    return out[0, 0]


def kernel(seqLogprobs, reward, batchsize_cap, target):
    b, t, vocab = seqLogprobs.shape
    rows = b * t

    table = jnp.transpose(seqLogprobs, (1, 2, 0)).reshape(-1)
    r = jnp.arange(rows, dtype=jnp.int32)
    flat_idx = ((r % t) * (vocab * b)
                + target.astype(jnp.int32) * b
                + r // t)
    rew = reward.astype(jnp.float32)

    if rows % _GCHUNK:
        pad = _GCHUNK - rows % _GCHUNK
        flat_idx = jnp.pad(flat_idx, (0, pad))
        rew = jnp.pad(rew, (0, pad))

    partials = _sc_partials(table, flat_idx, rew,
                            rows=flat_idx.shape[0])
    return _tc_reduce(partials)

# --- scband reference (transcript-rebuilt; emitter-appended) ---
"""Pipeline reference for scband-reward-criterion2-3298534883602 (READ-ONLY COPY).

The authoritative reference and input builder live on the scoring server;
editing this copy changes nothing except your own understanding.
"""

import jax, jax.numpy as jnp
import numpy as np


def setup_inputs(seed: int = 0) -> dict:
    key = jax.random.key(seed)
    k1, k2, k3 = jax.random.split(key, 3)
    batchsize_cap = 128
    rows = batchsize_cap * (180 - 1)
    vocab = 1000
    seqLogprobs = jax.random.normal(k1, (batchsize_cap, 179, vocab), dtype=jnp.float32)
    reward = jax.random.normal(k2, (rows,), dtype=jnp.float32)
    target = jax.random.randint(k3, (rows,), 0, vocab, dtype=jnp.int64)
    return {"seqLogprobs": seqLogprobs, "reward": reward, "batchsize_cap": batchsize_cap, "target": target}


def reference(seqLogprobs, reward, batchsize_cap, target):
    # Faithful translation of RewardCriterion2.forward:
    # reshape to [batchsize_cap*(180-1), vocab]; one-hot scatter + masked_select
    # is exactly a per-row gather of the logprob at the target index (row-major order).
    rows = seqLogprobs.shape[0] * seqLogprobs.shape[1]
    sl = seqLogprobs.reshape(rows, -1)
    tgt = target.reshape(-1, 1).astype(jnp.int32)
    picked = jnp.take_along_axis(sl, tgt, axis=1).reshape(-1)
    loss = picked * reward.reshape(-1).astype(jnp.float32)
    loss = -jnp.sum(loss) + jnp.asarray(batchsize_cap).astype(jnp.float32) * jnp.float32(0.0)
    return loss

if __name__ == "__main__":
    import jax
    _d = setup_inputs()
    print(jax.jit(kernel)(*tuple(_d.values())))

</pallas_src>

<mosaic_0001>
#map = affine_map<(d0, d1) -> (0)>
#map1 = affine_map<(d0, d1) -> (0, 0)>
module attributes {stable_mosaic.version = 14 : i64} {
  func.func @body(%arg0: i32, %arg1: i32, %arg2: memref<22912000xf32, #tpu.memory_space<hbm>>, %arg3: memref<22912xi32, #tpu.memory_space<hbm>>, %arg4: memref<22912xf32, #tpu.memory_space<hbm>>, %arg5: memref<16x16xf32, #tpu.memory_space<hbm>>, %arg6: memref<1536xi32, #tpu.memory_space<vmem>>, %arg7: memref<1536xf32, #tpu.memory_space<vmem>>, %arg8: memref<12x128xf32, #tpu.memory_space<vmem>>, %arg9: memref<16xf32, #tpu.memory_space<vmem>>, %arg10: memref<!tpu.dma_semaphore, #tpu.memory_space<semaphore_mem>>) attributes {dimension_semantics = [#tpu.dimension_semantics<core_parallel>, #tpu.dimension_semantics<subcore_parallel>], iteration_bounds = array<i64: 1, 16>, scalar_prefetch = 0 : i64, scratch_operands = 5 : i64, tpu.core_type = #tpu.core_type<sc_vector_subcore>, window_params = [{transform_indices = #map}, {transform_indices = #map}, {transform_indices = #map}, {transform_indices = #map1}]} {
    %mul3A = arith.constant 1 : i32
    %mul3A_0 = arith.muli %arg1, %mul3A : i32
    %add3A = arith.addi %mul3A_0, %arg0 : i32
    %mul3A_1 = arith.constant 1536 : i32
    %mul3A_2 = arith.muli %add3A, %mul3A_1 : i32
    %lt3A = arith.constant 14 : i32
    %lt3A_3 = arith.cmpi slt, %add3A, %lt3A : i32
    %convert_element_type3A = arith.extui %lt3A_3 : i1 to i32
    %cond3A = arith.constant 0 : i32
    %cond3A_4 = arith.cmpi ne, %convert_element_type3A, %cond3A : i32
    scf.if %cond3A_4 {
      "tpu.region"() ({
        %run_scoped3A = tpu.sem_alloc : memref<!tpu.dma_semaphore, #tpu.memory_space<semaphore_mem>>
        %dma_start3A_113 = tpu.memref_slice %arg3[%mul3A_2] : memref<22912xi32, #tpu.memory_space<hbm>> -> memref<1536xi32, #tpu.memory_space<hbm>>
        %dma_start3A_114 = tpu.memref_slice %arg3[%mul3A_2] : memref<22912xi32, #tpu.memory_space<hbm>> -> memref<1536xi32, #tpu.memory_space<hbm>>
        tpu.enqueue_dma source(%dma_start3A_114 : memref<1536xi32, #tpu.memory_space<hbm>>) target(%arg6 : memref<1536xi32, #tpu.memory_space<vmem>>) target_semaphore(%run_scoped3A : memref<!tpu.dma_semaphore, #tpu.memory_space<semaphore_mem>>)
        %dma_wait3A = tpu.memref_slice %arg3[%mul3A_2] : memref<22912xi32, #tpu.memory_space<hbm>> -> memref<1536xi32, #tpu.memory_space<hbm>>
        %dma_wait3A_115 = tpu.memref_slice %arg3[%mul3A_2] : memref<22912xi32, #tpu.memory_space<hbm>> -> memref<1536xi32, #tpu.memory_space<hbm>>
        tpu.wait_dma2 semaphore(%run_scoped3A : memref<!tpu.dma_semaphore, #tpu.memory_space<semaphore_mem>>) src(%dma_wait3A_115 : memref<1536xi32, #tpu.memory_space<hbm>>) dst(%arg6 : memref<1536xi32, #tpu.memory_space<vmem>>)
        tpu.yield
      }) : () -> ()
      "tpu.region"() ({
        %run_scoped3A = tpu.sem_alloc : memref<!tpu.dma_semaphore, #tpu.memory_space<semaphore_mem>>
        %dma_start3A_113 = tpu.memref_slice %arg4[%mul3A_2] : memref<22912xf32, #tpu.memory_space<hbm>> -> memref<1536xf32, #tpu.memory_space<hbm>>
        %dma_start3A_114 = tpu.memref_slice %arg4[%mul3A_2] : memref<22912xf32, #tpu.memory_space<hbm>> -> memref<1536xf32, #tpu.memory_space<hbm>>
        tpu.enqueue_dma source(%dma_start3A_114 : memref<1536xf32, #tpu.memory_space<hbm>>) target(%arg7 : memref<1536xf32, #tpu.memory_space<vmem>>) target_semaphore(%run_scoped3A : memref<!tpu.dma_semaphore, #tpu.memory_space<semaphore_mem>>)
        %dma_wait3A = tpu.memref_slice %arg4[%mul3A_2] : memref<22912xf32, #tpu.memory_space<hbm>> -> memref<1536xf32, #tpu.memory_space<hbm>>
        %dma_wait3A_115 = tpu.memref_slice %arg4[%mul3A_2] : memref<22912xf32, #tpu.memory_space<hbm>> -> memref<1536xf32, #tpu.memory_space<hbm>>
        tpu.wait_dma2 semaphore(%run_scoped3A : memref<!tpu.dma_semaphore, #tpu.memory_space<semaphore_mem>>) src(%dma_wait3A_115 : memref<1536xf32, #tpu.memory_space<hbm>>) dst(%arg7 : memref<1536xf32, #tpu.memory_space<vmem>>)
        tpu.yield
      }) : () -> ()
      %dma_start3A = arith.constant 0 : i32
      %dma_start3A_18 = arith.constant 0 : i32
      %dma_start3A_19 = tpu.memref_slice %arg8[%dma_start3A, %dma_start3A_18] : memref<12x128xf32, #tpu.memory_space<vmem>> -> memref<1x128xf32, #tpu.memory_space<vmem>>
      %dma_start3A_20 = tpu.memref_squeeze %dma_start3A_19 : memref<1x128xf32, #tpu.memory_space<vmem>> -> memref<128xf32, #tpu.memory_space<vmem>>
      %dma_start3A_21 = arith.constant 0 : i32
      %dma_start3A_22 = tpu.memref_slice %arg6[%dma_start3A_21] : memref<1536xi32, #tpu.memory_space<vmem>> -> memref<128xi32, #tpu.memory_space<vmem>>
      %dma_start3A_23 = arith.constant 0 : i32
      %dma_start3A_24 = tpu.memref_slice %arg2[%dma_start3A_23] : memref<22912000xf32, #tpu.memory_space<hbm>> -> memref<22912000xf32, #tpu.memory_space<hbm>>
      tpu.enqueue_indirect_dma source(%dma_start3A_24 : memref<22912000xf32, #tpu.memory_space<hbm>>) target(%dma_start3A_20 : memref<128xf32, #tpu.memory_space<vmem>>) offsets(%dma_start3A_22 : memref<128xi32, #tpu.memory_space<vmem>>) semaphore(%arg10 : memref<!tpu.dma_semaphore, #tpu.memory_space<semaphore_mem>>)
      %dma_start3A_25 = arith.constant 1 : i32
      %dma_start3A_26 = arith.constant 0 : i32
      %dma_start3A_27 = tpu.memref_slice %arg8[%dma_start3A_25, %dma_start3A_26] : memref<12x128xf32, #tpu.memory_space<vmem>> -> memref<1x128xf32, #tpu.memory_space<vmem>>
      %dma_start3A_28 = tpu.memref_squeeze %dma_start3A_27 : memref<1x128xf32, #tpu.memory_space<vmem>> -> memref<128xf32, #tpu.memory_space<vmem>>
      %dma_start3A_29 = arith.constant 128 : i32
      %dma_start3A_30 = tpu.memref_slice %arg6[%dma_start3A_29] : memref<1536xi32, #tpu.memory_space<vmem>> -> memref<128xi32, #tpu.memory_space<vmem>>
      %dma_start3A_31 = arith.constant 0 : i32
      %dma_start3A_32 = tpu.memref_slice %arg2[%dma_start3A_31] : memref<22912000xf32, #tpu.memory_space<hbm>> -> memref<22912000xf32, #tpu.memory_space<hbm>>
      tpu.enqueue_indirect_dma source(%dma_start3A_32 : memref<22912000xf32, #tpu.memory_space<hbm>>) target(%dma_start3A_28 : memref<128xf32, #tpu.memory_space<vmem>>) offsets(%dma_start3A_30 : memref<128xi32, #tpu.memory_space<vmem>>) semaphore(%arg10 : memref<!tpu.dma_semaphore, #tpu.memory_space<semaphore_mem>>)
      %dma_start3A_33 = arith.constant 2 : i32
      %dma_start3A_34 = arith.constant 0 : i32
      %dma_start3A_35 = tpu.memref_slice %arg8[%dma_start3A_33, %dma_start3A_34] : memref<12x128xf32, #tpu.memory_space<vmem>> -> memref<1x128xf32, #tpu.memory_space<vmem>>
      %dma_start3A_36 = tpu.memref_squeeze %dma_start3A_35 : memref<1x128xf32, #tpu.memory_space<vmem>> -> memref<128xf32, #tpu.memory_space<vmem>>
      %dma_start3A_37 = arith.constant 256 : i32
      %dma_start3A_38 = tpu.memref_slice %arg6[%dma_start3A_37] : memref<1536xi32, #tpu.memory_space<vmem>> -> memref<128xi32, #tpu.memory_space<vmem>>
      %dma_start3A_39 = arith.constant 0 : i32
      %dma_start3A_40 = tpu.memref_slice %arg2[%dma_start3A_39] : memref<22912000xf32, #tpu.memory_space<hbm>> -> memref<22912000xf32, #tpu.memory_space<hbm>>
      tpu.enqueue_indirect_dma source(%dma_start3A_40 : memref<22912000xf32, #tpu.memory_space<hbm>>) target(%dma_start3A_36 : memref<128xf32, #tpu.memory_space<vmem>>) offsets(%dma_start3A_38 : memref<128xi32, #tpu.memory_space<vmem>>) semaphore(%arg10 : memref<!tpu.dma_semaphore, #tpu.memory_space<semaphore_mem>>)
      %dma_start3A_41 = arith.constant 3 : i32
      %dma_start3A_42 = arith.constant 0 : i32
      %dma_start3A_43 = tpu.memref_slice %arg8[%dma_start3A_41, %dma_start3A_42] : memref<12x128xf32, #tpu.memory_space<vmem>> -> memref<1x128xf32, #tpu.memory_space<vmem>>
      %dma_start3A_44 = tpu.memref_squeeze %dma_start3A_43 : memref<1x128xf32, #tpu.memory_space<vmem>> -> memref<128xf32, #tpu.memory_space<vmem>>
      %dma_start3A_45 = arith.constant 384 : i32
      %dma_start3A_46 = tpu.memref_slice %arg6[%dma_start3A_45] : memref<1536xi32, #tpu.memory_space<vmem>> -> memref<128xi32, #tpu.memory_space<vmem>>
      %dma_start3A_47 = arith.constant 0 : i32
      %dma_start3A_48 = tpu.memref_slice %arg2[%dma_start3A_47] : memref<22912000xf32, #tpu.memory_space<hbm>> -> memref<22912000xf32, #tpu.memory_space<hbm>>
      tpu.enqueue_indirect_dma source(%dma_start3A_48 : memref<22912000xf32, #tpu.memory_space<hbm>>) target(%dma_start3A_44 : memref<128xf32, #tpu.memory_space<vmem>>) offsets(%dma_start3A_46 : memref<128xi32, #tpu.memory_space<vmem>>) semaphore(%arg10 : memref<!tpu.dma_semaphore, #tpu.memory_space<semaphore_mem>>)
      %dma_start3A_49 = arith.constant 4 : i32
      %dma_start3A_50 = arith.constant 0 : i32
      %dma_start3A_51 = tpu.memref_slice %arg8[%dma_start3A_49, %dma_start3A_50] : memref<12x128xf32, #tpu.memory_space<vmem>> -> memref<1x128xf32, #tpu.memory_space<vmem>>
      %dma_start3A_52 = tpu.memref_squeeze %dma_start3A_51 : memref<1x128xf32, #tpu.memory_space<vmem>> -> memref<128xf32, #tpu.memory_space<vmem>>
      %dma_start3A_53 = arith.constant 512 : i32
      %dma_start3A_54 = tpu.memref_slice %arg6[%dma_start3A_53] : memref<1536xi32, #tpu.memory_space<vmem>> -> memref<128xi32, #tpu.memory_space<vmem>>
      %dma_start3A_55 = arith.constant 0 : i32
      %dma_start3A_56 = tpu.memref_slice %arg2[%dma_start3A_55] : memref<22912000xf32, #tpu.memory_space<hbm>> -> memref<22912000xf32, #tpu.memory_space<hbm>>
      tpu.enqueue_indirect_dma source(%dma_start3A_56 : memref<22912000xf32, #tpu.memory_space<hbm>>) target(%dma_start3A_52 : memref<128xf32, #tpu.memory_space<vmem>>) offsets(%dma_start3A_54 : memref<128xi32, #tpu.memory_space<vmem>>) semaphore(%arg10 : memref<!tpu.dma_semaphore, #tpu.memory_space<semaphore_mem>>)
      %dma_start3A_57 = arith.constant 5 : i32
      %dma_start3A_58 = arith.constant 0 : i32
      %dma_start3A_59 = tpu.memref_slice %arg8[%dma_start3A_57, %dma_start3A_58] : memref<12x128xf32, #tpu.memory_space<vmem>> -> memref<1x128xf32, #tpu.memory_space<vmem>>
      %dma_start3A_60 = tpu.memref_squeeze %dma_start3A_59 : memref<1x128xf32, #tpu.memory_space<vmem>> -> memref<128xf32, #tpu.memory_space<vmem>>
      %dma_start3A_61 = arith.constant 640 : i32
      %dma_start3A_62 = tpu.memref_slice %arg6[%dma_start3A_61] : memref<1536xi32, #tpu.memory_space<vmem>> -> memref<128xi32, #tpu.memory_space<vmem>>
      %dma_start3A_63 = arith.constant 0 : i32
      %dma_start3A_64 = tpu.memref_slice %arg2[%dma_start3A_63] : memref<22912000xf32, #tpu.memory_space<hbm>> -> memref<22912000xf32, #tpu.memory_space<hbm>>
      tpu.enqueue_indirect_dma source(%dma_start3A_64 : memref<22912000xf32, #tpu.memory_space<hbm>>) target(%dma_start3A_60 : memref<128xf32, #tpu.memory_space<vmem>>) offsets(%dma_start3A_62 : memref<128xi32, #tpu.memory_space<vmem>>) semaphore(%arg10 : memref<!tpu.dma_semaphore, #tpu.memory_space<semaphore_mem>>)
      %dma_start3A_65 = arith.constant 6 : i32
      %dma_start3A_66 = arith.constant 0 : i32
      %dma_start3A_67 = tpu.memref_slice %arg8[%dma_start3A_65, %dma_start3A_66] : memref<12x128xf32, #tpu.memory_space<vmem>> -> memref<1x128xf32, #tpu.memory_space<vmem>>
      %dma_start3A_68 = tpu.memref_squeeze %dma_start3A_67 : memref<1x128xf32, #tpu.memory_space<vmem>> -> memref<128xf32, #tpu.memory_space<vmem>>
      %dma_start3A_69 = arith.constant 768 : i32
      %dma_start3A_70 = tpu.memref_slice %arg6[%dma_start3A_69] : memref<1536xi32, #tpu.memory_space<vmem>> -> memref<128xi32, #tpu.memory_space<vmem>>
      %dma_start3A_71 = arith.constant 0 : i32
      %dma_start3A_72 = tpu.memref_slice %arg2[%dma_start3A_71] : memref<22912000xf32, #tpu.memory_space<hbm>> -> memref<22912000xf32, #tpu.memory_space<hbm>>
      tpu.enqueue_indirect_dma source(%dma_start3A_72 : memref<22912000xf32, #tpu.memory_space<hbm>>) target(%dma_start3A_68 : memref<128xf32, #tpu.memory_space<vmem>>) offsets(%dma_start3A_70 : memref<128xi32, #tpu.memory_space<vmem>>) semaphore(%arg10 : memref<!tpu.dma_semaphore, #tpu.memory_space<semaphore_mem>>)
      %dma_start3A_73 = arith.constant 7 : i32
      %dma_start3A_74 = arith.constant 0 : i32
      %dma_start3A_75 = tpu.memref_slice %arg8[%dma_start3A_73, %dma_start3A_74] : memref<12x128xf32, #tpu.memory_space<vmem>> -> memref<1x128xf32, #tpu.memory_space<vmem>>
      %dma_start3A_76 = tpu.memref_squeeze %dma_start3A_75 : memref<1x128xf32, #tpu.memory_space<vmem>> -> memref<128xf32, #tpu.memory_space<vmem>>
      %dma_start3A_77 = arith.constant 896 : i32
      %dma_start3A_78 = tpu.memref_slice %arg6[%dma_start3A_77] : memref<1536xi32, #tpu.memory_space<vmem>> -> memref<128xi32, #tpu.memory_space<vmem>>
      %dma_start3A_79 = arith.constant 0 : i32
      %dma_start3A_80 = tpu.memref_slice %arg2[%dma_start3A_79] : memref<22912000xf32, #tpu.memory_space<hbm>> -> memref<22912000xf32, #tpu.memory_space<hbm>>
      tpu.enqueue_indirect_dma source(%dma_start3A_80 : memref<22912000xf32, #tpu.memory_space<hbm>>) target(%dma_start3A_76 : memref<128xf32, #tpu.memory_space<vmem>>) offsets(%dma_start3A_78 : memref<128xi32, #tpu.memory_space<vmem>>) semaphore(%arg10 : memref<!tpu.dma_semaphore, #tpu.memory_space<semaphore_mem>>)
      %dma_start3A_81 = arith.constant 8 : i32
      %dma_start3A_82 = arith.constant 0 : i32
      %dma_start3A_83 = tpu.memref_slice %arg8[%dma_start3A_81, %dma_start3A_82] : memref<12x128xf32, #tpu.memory_space<vmem>> -> memref<1x128xf32, #tpu.memory_space<vmem>>
      %dma_start3A_84 = tpu.memref_squeeze %dma_start3A_83 : memref<1x128xf32, #tpu.memory_space<vmem>> -> memref<128xf32, #tpu.memory_space<vmem>>
      %dma_start3A_85 = arith.constant 1024 : i32
      %dma_start3A_86 = tpu.memref_slice %arg6[%dma_start3A_85] : memref<1536xi32, #tpu.memory_space<vmem>> -> memref<128xi32, #tpu.memory_space<vmem>>
      %dma_start3A_87 = arith.constant 0 : i32
      %dma_start3A_88 = tpu.memref_slice %arg2[%dma_start3A_87] : memref<22912000xf32, #tpu.memory_space<hbm>> -> memref<22912000xf32, #tpu.memory_space<hbm>>
      tpu.enqueue_indirect_dma source(%dma_start3A_88 : memref<22912000xf32, #tpu.memory_space<hbm>>) target(%dma_start3A_84 : memref<128xf32, #tpu.memory_space<vmem>>) offsets(%dma_start3A_86 : memref<128xi32, #tpu.memory_space<vmem>>) semaphore(%arg10 : memref<!tpu.dma_semaphore, #tpu.memory_space<semaphore_mem>>)
      %dma_start3A_89 = arith.constant 9 : i32
      %dma_start3A_90 = arith.constant 0 : i32
      %dma_start3A_91 = tpu.memref_slice %arg8[%dma_start3A_89, %dma_start3A_90] : memref<12x128xf32, #tpu.memory_space<vmem>> -> memref<1x128xf32, #tpu.memory_space<vmem>>
      %dma_start3A_92 = tpu.memref_squeeze %dma_start3A_91 : memref<1x128xf32, #tpu.memory_space<vmem>> -> memref<128xf32, #tpu.memory_space<vmem>>
      %dma_start3A_93 = arith.constant 1152 : i32
      %dma_start3A_94 = tpu.memref_slice %arg6[%dma_start3A_93] : memref<1536xi32, #tpu.memory_space<vmem>> -> memref<128xi32, #tpu.memory_space<vmem>>
      %dma_start3A_95 = arith.constant 0 : i32
      %dma_start3A_96 = tpu.memref_slice %arg2[%dma_start3A_95] : memref<22912000xf32, #tpu.memory_space<hbm>> -> memref<22912000xf32, #tpu.memory_space<hbm>>
      tpu.enqueue_indirect_dma source(%dma_start3A_96 : memref<22912000xf32, #tpu.memory_space<hbm>>) target(%dma_start3A_92 : memref<128xf32, #tpu.memory_space<vmem>>) offsets(%dma_start3A_94 : memref<128xi32, #tpu.memory_space<vmem>>) semaphore(%arg10 : memref<!tpu.dma_semaphore, #tpu.memory_space<semaphore_mem>>)
      %dma_start3A_97 = arith.constant 10 : i32
      %dma_start3A_98 = arith.constant 0 : i32
      %dma_start3A_99 = tpu.memref_slice %arg8[%dma_start3A_97, %dma_start3A_98] : memref<12x128xf32, #tpu.memory_space<vmem>> -> memref<1x128xf32, #tpu.memory_space<vmem>>
      %dma_start3A_100 = tpu.memref_squeeze %dma_start3A_99 : memref<1x128xf32, #tpu.memory_space<vmem>> -> memref<128xf32, #tpu.memory_space<vmem>>
      %dma_start3A_101 = arith.constant 1280 : i32
      %dma_start3A_102 = tpu.memref_slice %arg6[%dma_start3A_101] : memref<1536xi32, #tpu.memory_space<vmem>> -> memref<128xi32, #tpu.memory_space<vmem>>
      %dma_start3A_103 = arith.constant 0 : i32
      %dma_start3A_104 = tpu.memref_slice %arg2[%dma_start3A_103] : memref<22912000xf32, #tpu.memory_space<hbm>> -> memref<22912000xf32, #tpu.memory_space<hbm>>
      tpu.enqueue_indirect_dma source(%dma_start3A_104 : memref<22912000xf32, #tpu.memory_space<hbm>>) target(%dma_start3A_100 : memref<128xf32, #tpu.memory_space<vmem>>) offsets(%dma_start3A_102 : memref<128xi32, #tpu.memory_space<vmem>>) semaphore(%arg10 : memref<!tpu.dma_semaphore, #tpu.memory_space<semaphore_mem>>)
      %dma_start3A_105 = arith.constant 11 : i32
      %dma_start3A_106 = arith.constant 0 : i32
      %dma_start3A_107 = tpu.memref_slice %arg8[%dma_start3A_105, %dma_start3A_106] : memref<12x128xf32, #tpu.memory_space<vmem>> -> memref<1x128xf32, #tpu.memory_space<vmem>>
      %dma_start3A_108 = tpu.memref_squeeze %dma_start3A_107 : memref<1x128xf32, #tpu.memory_space<vmem>> -> memref<128xf32, #tpu.memory_space<vmem>>
      %dma_start3A_109 = arith.constant 1408 : i32
      %dma_start3A_110 = tpu.memref_slice %arg6[%dma_start3A_109] : memref<1536xi32, #tpu.memory_space<vmem>> -> memref<128xi32, #tpu.memory_space<vmem>>
      %dma_start3A_111 = arith.constant 0 : i32
      %dma_start3A_112 = tpu.memref_slice %arg2[%dma_start3A_111] : memref<22912000xf32, #tpu.memory_space<hbm>> -> memref<22912000xf32, #tpu.memory_space<hbm>>
      tpu.enqueue_indirect_dma source(%dma_start3A_112 : memref<22912000xf32, #tpu.memory_space<hbm>>) target(%dma_start3A_108 : memref<128xf32, #tpu.memory_space<vmem>>) offsets(%dma_start3A_110 : memref<128xi32, #tpu.memory_space<vmem>>) semaphore(%arg10 : memref<!tpu.dma_semaphore, #tpu.memory_space<semaphore_mem>>)
    } else {
    }
    %eq3A = arith.constant 14 : i32
    %eq3A_5 = arith.cmpi eq, %add3A, %eq3A : i32
    %convert_element_type3A_6 = arith.extui %eq3A_5 : i1 to i32
    %cond3A_7 = arith.constant 0 : i32
    %cond3A_8 = arith.cmpi ne, %convert_element_type3A_6, %cond3A_7 : i32
    scf.if %cond3A_8 {
      "tpu.region"() ({
        %run_scoped3A = tpu.sem_alloc : memref<!tpu.dma_semaphore, #tpu.memory_space<semaphore_mem>>
        %dma_start3A_145 = arith.constant 0 : i32
        %dma_start3A_146 = tpu.memref_slice %arg6[%dma_start3A_145] : memref<1536xi32, #tpu.memory_space<vmem>> -> memref<1408xi32, #tpu.memory_space<vmem>>
        %dma_start3A_147 = tpu.memref_slice %arg3[%mul3A_2] : memref<22912xi32, #tpu.memory_space<hbm>> -> memref<1408xi32, #tpu.memory_space<hbm>>
        %dma_start3A_148 = arith.constant 0 : i32
        %dma_start3A_149 = tpu.memref_slice %arg6[%dma_start3A_148] : memref<1536xi32, #tpu.memory_space<vmem>> -> memref<1408xi32, #tpu.memory_space<vmem>>
        %dma_start3A_150 = tpu.memref_slice %arg3[%mul3A_2] : memref<22912xi32, #tpu.memory_space<hbm>> -> memref<1408xi32, #tpu.memory_space<hbm>>
        tpu.enqueue_dma source(%dma_start3A_150 : memref<1408xi32, #tpu.memory_space<hbm>>) target(%dma_start3A_149 : memref<1408xi32, #tpu.memory_space<vmem>>) target_semaphore(%run_scoped3A : memref<!tpu.dma_semaphore, #tpu.memory_space<semaphore_mem>>)
        %dma_wait3A = arith.constant 0 : i32
        %dma_wait3A_151 = tpu.memref_slice %arg6[%dma_wait3A] : memref<1536xi32, #tpu.memory_space<vmem>> -> memref<1408xi32, #tpu.memory_space<vmem>>
        %dma_wait3A_152 = tpu.memref_slice %arg3[%mul3A_2] : memref<22912xi32, #tpu.memory_space<hbm>> -> memref<1408xi32, #tpu.memory_space<hbm>>
        %dma_wait3A_153 = arith.constant 0 : i32
        %dma_wait3A_154 = tpu.memref_slice %arg6[%dma_wait3A_153] : memref<1536xi32, #tpu.memory_space<vmem>> -> memref<1408xi32, #tpu.memory_space<vmem>>
        %dma_wait3A_155 = tpu.memref_slice %arg3[%mul3A_2] : memref<22912xi32, #tpu.memory_space<hbm>> -> memref<1408xi32, #tpu.memory_space<hbm>>
        tpu.wait_dma2 semaphore(%run_scoped3A : memref<!tpu.dma_semaphore, #tpu.memory_space<semaphore_mem>>) src(%dma_wait3A_155 : memref<1408xi32, #tpu.memory_space<hbm>>) dst(%dma_wait3A_154 : memref<1408xi32, #tpu.memory_space<vmem>>)
        tpu.yield
      }) : () -> ()
      "tpu.region"() ({
        %run_scoped3A = tpu.sem_alloc : memref<!tpu.dma_semaphore, #tpu.memory_space<semaphore_mem>>
        %dma_start3A_145 = arith.constant 0 : i32
        %dma_start3A_146 = tpu.memref_slice %arg7[%dma_start3A_145] : memref<1536xf32, #tpu.memory_space<vmem>> -> memref<1408xf32, #tpu.memory_space<vmem>>
        %dma_start3A_147 = tpu.memref_slice %arg4[%mul3A_2] : memref<22912xf32, #tpu.memory_space<hbm>> -> memref<1408xf32, #tpu.memory_space<hbm>>
        %dma_start3A_148 = arith.constant 0 : i32
        %dma_start3A_149 = tpu.memref_slice %arg7[%dma_start3A_148] : memref<1536xf32, #tpu.memory_space<vmem>> -> memref<1408xf32, #tpu.memory_space<vmem>>
        %dma_start3A_150 = tpu.memref_slice %arg4[%mul3A_2] : memref<22912xf32, #tpu.memory_space<hbm>> -> memref<1408xf32, #tpu.memory_space<hbm>>
        tpu.enqueue_dma source(%dma_start3A_150 : memref<1408xf32, #tpu.memory_space<hbm>>) target(%dma_start3A_149 : memref<1408xf32, #tpu.memory_space<vmem>>) target_semaphore(%run_scoped3A : memref<!tpu.dma_semaphore, #tpu.memory_space<semaphore_mem>>)
        %dma_wait3A = arith.constant 0 : i32
        %dma_wait3A_151 = tpu.memref_slice %arg7[%dma_wait3A] : memref<1536xf32, #tpu.memory_space<vmem>> -> memref<1408xf32, #tpu.memory_space<vmem>>
        %dma_wait3A_152 = tpu.memref_slice %arg4[%mul3A_2] : memref<22912xf32, #tpu.memory_space<hbm>> -> memref<1408xf32, #tpu.memory_space<hbm>>
        %dma_wait3A_153 = arith.constant 0 : i32
        %dma_wait3A_154 = tpu.memref_slice %arg7[%dma_wait3A_153] : memref<1536xf32, #tpu.memory_space<vmem>> -> memref<1408xf32, #tpu.memory_space<vmem>>
        %dma_wait3A_155 = tpu.memref_slice %arg4[%mul3A_2] : memref<22912xf32, #tpu.memory_space<hbm>> -> memref<1408xf32, #tpu.memory_space<hbm>>
        tpu.wait_dma2 semaphore(%run_scoped3A : memref<!tpu.dma_semaphore, #tpu.memory_space<semaphore_mem>>) src(%dma_wait3A_155 : memref<1408xf32, #tpu.memory_space<hbm>>) dst(%dma_wait3A_154 : memref<1408xf32, #tpu.memory_space<vmem>>)
        tpu.yield
      }) : () -> ()
      %broadcast_in_dim3A = arith.constant 0.000000e+00 : f32
      %broadcast_in_dim3A_18 = vector.broadcast %broadcast_in_dim3A : f32 to vector<16xf32>
      %swap3A = arith.constant 1408 : index
      %swap3A_19 = tpu.vector_load %arg7[%swap3A] {strides = array<i32>} : memref<1536xf32, #tpu.memory_space<vmem>>, vector<16xf32>,
      %swap3A_20 = vector.shape_cast %swap3A_19 : vector<16xf32> to vector<16xf32>
      %swap3A_21 = vector.shape_cast %broadcast_in_dim3A_18 : vector<16xf32> to vector<16xf32>
      tpu.vector_store %arg7[%swap3A], %swap3A_21 {strides = array<i32>} : memref<1536xf32, #tpu.memory_space<vmem>>, vector<16xf32>,
      %swap3A_22 = arith.constant 1424 : index
      %swap3A_23 = tpu.vector_load %arg7[%swap3A_22] {strides = array<i32>} : memref<1536xf32, #tpu.memory_space<vmem>>, vector<16xf32>,
      %swap3A_24 = vector.shape_cast %swap3A_23 : vector<16xf32> to vector<16xf32>
      %swap3A_25 = vector.shape_cast %broadcast_in_dim3A_18 : vector<16xf32> to vector<16xf32>
      tpu.vector_store %arg7[%swap3A_22], %swap3A_25 {strides = array<i32>} : memref<1536xf32, #tpu.memory_space<vmem>>, vector<16xf32>,
      %swap3A_26 = arith.constant 1440 : index
      %swap3A_27 = tpu.vector_load %arg7[%swap3A_26] {strides = array<i32>} : memref<1536xf32, #tpu.memory_space<vmem>>, vector<16xf32>,
      %swap3A_28 = vector.shape_cast %swap3A_27 : vector<16xf32> to vector<16xf32>
      %swap3A_29 = vector.shape_cast %broadcast_in_dim3A_18 : vector<16xf32> to vector<16xf32>
      tpu.vector_store %arg7[%swap3A_26], %swap3A_29 {strides = array<i32>} : memref<1536xf32, #tpu.memory_space<vmem>>, vector<16xf32>,
      %swap3A_30 = arith.constant 1456 : index
      %swap3A_31 = tpu.vector_load %arg7[%swap3A_30] {strides = array<i32>} : memref<1536xf32, #tpu.memory_space<vmem>>, vector<16xf32>,
      %swap3A_32 = vector.shape_cast %swap3A_31 : vector<16xf32> to vector<16xf32>
      %swap3A_33 = vector.shape_cast %broadcast_in_dim3A_18 : vector<16xf32> to vector<16xf32>
      tpu.vector_store %arg7[%swap3A_30], %swap3A_33 {strides = array<i32>} : memref<1536xf32, #tpu.memory_space<vmem>>, vector<16xf32>,
      %swap3A_34 = arith.constant 1472 : index
      %swap3A_35 = tpu.vector_load %arg7[%swap3A_34] {strides = array<i32>} : memref<1536xf32, #tpu.memory_space<vmem>>, vector<16xf32>,
      %swap3A_36 = vector.shape_cast %swap3A_35 : vector<16xf32> to vector<16xf32>
      %swap3A_37 = vector.shape_cast %broadcast_in_dim3A_18 : vector<16xf32> to vector<16xf32>
      tpu.vector_store %arg7[%swap3A_34], %swap3A_37 {strides = array<i32>} : memref<1536xf32, #tpu.memory_space<vmem>>, vector<16xf32>,
      %swap3A_38 = arith.constant 1488 : index
      %swap3A_39 = tpu.vector_load %arg7[%swap3A_38] {strides = array<i32>} : memref<1536xf32, #tpu.memory_space<vmem>>, vector<16xf32>,
      %swap3A_40 = vector.shape_cast %swap3A_39 : vector<16xf32> to vector<16xf32>
      %swap3A_41 = vector.shape_cast %broadcast_in_dim3A_18 : vector<16xf32> to vector<16xf32>
      tpu.vector_store %arg7[%swap3A_38], %swap3A_41 {strides = array<i32>} : memref<1536xf32, #tpu.memory_space<vmem>>, vector<16xf32>,
      %swap3A_42 = arith.constant 1504 : index
      %swap3A_43 = tpu.vector_load %arg7[%swap3A_42] {strides = array<i32>} : memref<1536xf32, #tpu.memory_space<vmem>>, vector<16xf32>,
      %swap3A_44 = vector.shape_cast %swap3A_43 : vector<16xf32> to vector<16xf32>
      %swap3A_45 = vector.shape_cast %broadcast_in_dim3A_18 : vector<16xf32> to vector<16xf32>
      tpu.vector_store %arg7[%swap3A_42], %swap3A_45 {strides = array<i32>} : memref<1536xf32, #tpu.memory_space<vmem>>, vector<16xf32>,
      %swap3A_46 = arith.constant 1520 : index
      %swap3A_47 = tpu.vector_load %arg7[%swap3A_46] {strides = array<i32>} : memref<1536xf32, #tpu.memory_space<vmem>>, vector<16xf32>,
      %swap3A_48 = vector.shape_cast %swap3A_47 : vector<16xf32> to vector<16xf32>
      %swap3A_49 = vector.shape_cast %broadcast_in_dim3A_18 : vector<16xf32> to vector<16xf32>
      tpu.vector_store %arg7[%swap3A_46], %swap3A_49 {strides = array<i32>} : memref<1536xf32, #tpu.memory_space<vmem>>, vector<16xf32>,
      %dma_start3A = arith.constant 0 : i32
      %dma_start3A_50 = arith.constant 0 : i32
      %dma_start3A_51 = tpu.memref_slice %arg8[%dma_start3A, %dma_start3A_50] : memref<12x128xf32, #tpu.memory_space<vmem>> -> memref<1x128xf32, #tpu.memory_space<vmem>>
      %dma_start3A_52 = tpu.memref_squeeze %dma_start3A_51 : memref<1x128xf32, #tpu.memory_space<vmem>> -> memref<128xf32, #tpu.memory_space<vmem>>
      %dma_start3A_53 = arith.constant 0 : i32
      %dma_start3A_54 = tpu.memref_slice %arg6[%dma_start3A_53] : memref<1536xi32, #tpu.memory_space<vmem>> -> memref<128xi32, #tpu.memory_space<vmem>>
      %dma_start3A_55 = arith.constant 0 : i32
      %dma_start3A_56 = tpu.memref_slice %arg2[%dma_start3A_55] : memref<22912000xf32, #tpu.memory_space<hbm>> -> memref<22912000xf32, #tpu.memory_space<hbm>>
      tpu.enqueue_indirect_dma source(%dma_start3A_56 : memref<22912000xf32, #tpu.memory_space<hbm>>) target(%dma_start3A_52 : memref<128xf32, #tpu.memory_space<vmem>>) offsets(%dma_start3A_54 : memref<128xi32, #tpu.memory_space<vmem>>) semaphore(%arg10 : memref<!tpu.dma_semaphore, #tpu.memory_space<semaphore_mem>>)
      %dma_start3A_57 = arith.constant 1 : i32
      %dma_start3A_58 = arith.constant 0 : i32
      %dma_start3A_59 = tpu.memref_slice %arg8[%dma_start3A_57, %dma_start3A_58] : memref<12x128xf32, #tpu.memory_space<vmem>> -> memref<1x128xf32, #tpu.memory_space<vmem>>
      %dma_start3A_60 = tpu.memref_squeeze %dma_start3A_59 : memref<1x128xf32, #tpu.memory_space<vmem>> -> memref<128xf32, #tpu.memory_space<vmem>>
      %dma_start3A_61 = arith.constant 128 : i32
      %dma_start3A_62 = tpu.memref_slice %arg6[%dma_start3A_61] : memref<1536xi32, #tpu.memory_space<vmem>> -> memref<128xi32, #tpu.memory_space<vmem>>
      %dma_start3A_63 = arith.constant 0 : i32
      %dma_start3A_64 = tpu.memref_slice %arg2[%dma_start3A_63] : memref<22912000xf32, #tpu.memory_space<hbm>> -> memref<22912000xf32, #tpu.memory_space<hbm>>
      tpu.enqueue_indirect_dma source(%dma_start3A_64 : memref<22912000xf32, #tpu.memory_space<hbm>>) target(%dma_start3A_60 : memref<128xf32, #tpu.memory_space<vmem>>) offsets(%dma_start3A_62 : memref<128xi32, #tpu.memory_space<vmem>>) semaphore(%arg10 : memref<!tpu.dma_semaphore, #tpu.memory_space<semaphore_mem>>)
      %dma_start3A_65 = arith.constant 2 : i32
      %dma_start3A_66 = arith.constant 0 : i32
      %dma_start3A_67 = tpu.memref_slice %arg8[%dma_start3A_65, %dma_start3A_66] : memref<12x128xf32, #tpu.memory_space<vmem>> -> memref<1x128xf32, #tpu.memory_space<vmem>>
      %dma_start3A_68 = tpu.memref_squeeze %dma_start3A_67 : memref<1x128xf32, #tpu.memory_space<vmem>> -> memref<128xf32, #tpu.memory_space<vmem>>
      %dma_start3A_69 = arith.constant 256 : i32
      %dma_start3A_70 = tpu.memref_slice %arg6[%dma_start3A_69] : memref<1536xi32, #tpu.memory_space<vmem>> -> memref<128xi32, #tpu.memory_space<vmem>>
      %dma_start3A_71 = arith.constant 0 : i32
      %dma_start3A_72 = tpu.memref_slice %arg2[%dma_start3A_71] : memref<22912000xf32, #tpu.memory_space<hbm>> -> memref<22912000xf32, #tpu.memory_space<hbm>>
      tpu.enqueue_indirect_dma source(%dma_start3A_72 : memref<22912000xf32, #tpu.memory_space<hbm>>) target(%dma_start3A_68 : memref<128xf32, #tpu.memory_space<vmem>>) offsets(%dma_start3A_70 : memref<128xi32, #tpu.memory_space<vmem>>) semaphore(%arg10 : memref<!tpu.dma_semaphore, #tpu.memory_space<semaphore_mem>>)
      %dma_start3A_73 = arith.constant 3 : i32
      %dma_start3A_74 = arith.constant 0 : i32
      %dma_start3A_75 = tpu.memref_slice %arg8[%dma_start3A_73, %dma_start3A_74] : memref<12x128xf32, #tpu.memory_space<vmem>> -> memref<1x128xf32, #tpu.memory_space<vmem>>
      %dma_start3A_76 = tpu.memref_squeeze %dma_start3A_75 : memref<1x128xf32, #tpu.memory_space<vmem>> -> memref<128xf32, #tpu.memory_space<vmem>>
      %dma_start3A_77 = arith.constant 384 : i32
      %dma_start3A_78 = tpu.memref_slice %arg6[%dma_start3A_77] : memref<1536xi32, #tpu.memory_space<vmem>> -> memref<128xi32, #tpu.memory_space<vmem>>
      %dma_start3A_79 = arith.constant 0 : i32
      %dma_start3A_80 = tpu.memref_slice %arg2[%dma_start3A_79] : memref<22912000xf32, #tpu.memory_space<hbm>> -> memref<22912000xf32, #tpu.memory_space<hbm>>
      tpu.enqueue_indirect_dma source(%dma_start3A_80 : memref<22912000xf32, #tpu.memory_space<hbm>>) target(%dma_start3A_76 : memref<128xf32, #tpu.memory_space<vmem>>) offsets(%dma_start3A_78 : memref<128xi32, #tpu.memory_space<vmem>>) semaphore(%arg10 : memref<!tpu.dma_semaphore, #tpu.memory_space<semaphore_mem>>)
      %dma_start3A_81 = arith.constant 4 : i32
      %dma_start3A_82 = arith.constant 0 : i32
      %dma_start3A_83 = tpu.memref_slice %arg8[%dma_start3A_81, %dma_start3A_82] : memref<12x128xf32, #tpu.memory_space<vmem>> -> memref<1x128xf32, #tpu.memory_space<vmem>>
      %dma_start3A_84 = tpu.memref_squeeze %dma_start3A_83 : memref<1x128xf32, #tpu.memory_space<vmem>> -> memref<128xf32, #tpu.memory_space<vmem>>
      %dma_start3A_85 = arith.constant 512 : i32
      %dma_start3A_86 = tpu.memref_slice %arg6[%dma_start3A_85] : memref<1536xi32, #tpu.memory_space<vmem>> -> memref<128xi32, #tpu.memory_space<vmem>>
      %dma_start3A_87 = arith.constant 0 : i32
      %dma_start3A_88 = tpu.memref_slice %arg2[%dma_start3A_87] : memref<22912000xf32, #tpu.memory_space<hbm>> -> memref<22912000xf32, #tpu.memory_space<hbm>>
      tpu.enqueue_indirect_dma source(%dma_start3A_88 : memref<22912000xf32, #tpu.memory_space<hbm>>) target(%dma_start3A_84 : memref<128xf32, #tpu.memory_space<vmem>>) offsets(%dma_start3A_86 : memref<128xi32, #tpu.memory_space<vmem>>) semaphore(%arg10 : memref<!tpu.dma_semaphore, #tpu.memory_space<semaphore_mem>>)
      %dma_start3A_89 = arith.constant 5 : i32
      %dma_start3A_90 = arith.constant 0 : i32
      %dma_start3A_91 = tpu.memref_slice %arg8[%dma_start3A_89, %dma_start3A_90] : memref<12x128xf32, #tpu.memory_space<vmem>> -> memref<1x128xf32, #tpu.memory_space<vmem>>
      %dma_start3A_92 = tpu.memref_squeeze %dma_start3A_91 : memref<1x128xf32, #tpu.memory_space<vmem>> -> memref<128xf32, #tpu.memory_space<vmem>>
      %dma_start3A_93 = arith.constant 640 : i32
      %dma_start3A_94 = tpu.memref_slice %arg6[%dma_start3A_93] : memref<1536xi32, #tpu.memory_space<vmem>> -> memref<128xi32, #tpu.memory_space<vmem>>
      %dma_start3A_95 = arith.constant 0 : i32
      %dma_start3A_96 = tpu.memref_slice %arg2[%dma_start3A_95] : memref<22912000xf32, #tpu.memory_space<hbm>> -> memref<22912000xf32, #tpu.memory_space<hbm>>
      tpu.enqueue_indirect_dma source(%dma_start3A_96 : memref<22912000xf32, #tpu.memory_space<hbm>>) target(%dma_start3A_92 : memref<128xf32, #tpu.memory_space<vmem>>) offsets(%dma_start3A_94 : memref<128xi32, #tpu.memory_space<vmem>>) semaphore(%arg10 : memref<!tpu.dma_semaphore, #tpu.memory_space<semaphore_mem>>)
      %dma_start3A_97 = arith.constant 6 : i32
      %dma_start3A_98 = arith.constant 0 : i32
      %dma_start3A_99 = tpu.memref_slice %arg8[%dma_start3A_97, %dma_start3A_98] : memref<12x128xf32, #tpu.memory_space<vmem>> -> memref<1x128xf32, #tpu.memory_space<vmem>>
      %dma_start3A_100 = tpu.memref_squeeze %dma_start3A_99 : memref<1x128xf32, #tpu.memory_space<vmem>> -> memref<128xf32, #tpu.memory_space<vmem>>
      %dma_start3A_101 = arith.constant 768 : i32
      %dma_start3A_102 = tpu.memref_slice %arg6[%dma_start3A_101] : memref<1536xi32, #tpu.memory_space<vmem>> -> memref<128xi32, #tpu.memory_space<vmem>>
      %dma_start3A_103 = arith.constant 0 : i32
      %dma_start3A_104 = tpu.memref_slice %arg2[%dma_start3A_103] : memref<22912000xf32, #tpu.memory_space<hbm>> -> memref<22912000xf32, #tpu.memory_space<hbm>>
      tpu.enqueue_indirect_dma source(%dma_start3A_104 : memref<22912000xf32, #tpu.memory_space<hbm>>) target(%dma_start3A_100 : memref<128xf32, #tpu.memory_space<vmem>>) offsets(%dma_start3A_102 : memref<128xi32, #tpu.memory_space<vmem>>) semaphore(%arg10 : memref<!tpu.dma_semaphore, #tpu.memory_space<semaphore_mem>>)
      %dma_start3A_105 = arith.constant 7 : i32
      %dma_start3A_106 = arith.constant 0 : i32
      %dma_start3A_107 = tpu.memref_slice %arg8[%dma_start3A_105, %dma_start3A_106] : memref<12x128xf32, #tpu.memory_space<vmem>> -> memref<1x128xf32, #tpu.memory_space<vmem>>
      %dma_start3A_108 = tpu.memref_squeeze %dma_start3A_107 : memref<1x128xf32, #tpu.memory_space<vmem>> -> memref<128xf32, #tpu.memory_space<vmem>>
      %dma_start3A_109 = arith.constant 896 : i32
      %dma_start3A_110 = tpu.memref_slice %arg6[%dma_start3A_109] : memref<1536xi32, #tpu.memory_space<vmem>> -> memref<128xi32, #tpu.memory_space<vmem>>
      %dma_start3A_111 = arith.constant 0 : i32
      %dma_start3A_112 = tpu.memref_slice %arg2[%dma_start3A_111] : memref<22912000xf32, #tpu.memory_space<hbm>> -> memref<22912000xf32, #tpu.memory_space<hbm>>
      tpu.enqueue_indirect_dma source(%dma_start3A_112 : memref<22912000xf32, #tpu.memory_space<hbm>>) target(%dma_start3A_108 : memref<128xf32, #tpu.memory_space<vmem>>) offsets(%dma_start3A_110 : memref<128xi32, #tpu.memory_space<vmem>>) semaphore(%arg10 : memref<!tpu.dma_semaphore, #tpu.memory_space<semaphore_mem>>)
      %dma_start3A_113 = arith.constant 8 : i32
      %dma_start3A_114 = arith.constant 0 : i32
      %dma_start3A_115 = tpu.memref_slice %arg8[%dma_start3A_113, %dma_start3A_114] : memref<12x128xf32, #tpu.memory_space<vmem>> -> memref<1x128xf32, #tpu.memory_space<vmem>>
      %dma_start3A_116 = tpu.memref_squeeze %dma_start3A_115 : memref<1x128xf32, #tpu.memory_space<vmem>> -> memref<128xf32, #tpu.memory_space<vmem>>
      %dma_start3A_117 = arith.constant 1024 : i32
      %dma_start3A_118 = tpu.memref_slice %arg6[%dma_start3A_117] : memref<1536xi32, #tpu.memory_space<vmem>> -> memref<128xi32, #tpu.memory_space<vmem>>
      %dma_start3A_119 = arith.constant 0 : i32
      %dma_start3A_120 = tpu.memref_slice %arg2[%dma_start3A_119] : memref<22912000xf32, #tpu.memory_space<hbm>> -> memref<22912000xf32, #tpu.memory_space<hbm>>
      tpu.enqueue_indirect_dma source(%dma_start3A_120 : memref<22912000xf32, #tpu.memory_space<hbm>>) target(%dma_start3A_116 : memref<128xf32, #tpu.memory_space<vmem>>) offsets(%dma_start3A_118 : memref<128xi32, #tpu.memory_space<vmem>>) semaphore(%arg10 : memref<!tpu.dma_semaphore, #tpu.memory_space<semaphore_mem>>)
      %dma_start3A_121 = arith.constant 9 : i32
      %dma_start3A_122 = arith.constant 0 : i32
      %dma_start3A_123 = tpu.memref_slice %arg8[%dma_start3A_121, %dma_start3A_122] : memref<12x128xf32, #tpu.memory_space<vmem>> -> memref<1x128xf32, #tpu.memory_space<vmem>>
      %dma_start3A_124 = tpu.memref_squeeze %dma_start3A_123 : memref<1x128xf32, #tpu.memory_space<vmem>> -> memref<128xf32, #tpu.memory_space<vmem>>
      %dma_start3A_125 = arith.constant 1152 : i32
      %dma_start3A_126 = tpu.memref_slice %arg6[%dma_start3A_125] : memref<1536xi32, #tpu.memory_space<vmem>> -> memref<128xi32, #tpu.memory_space<vmem>>
      %dma_start3A_127 = arith.constant 0 : i32
      %dma_start3A_128 = tpu.memref_slice %arg2[%dma_start3A_127] : memref<22912000xf32, #tpu.memory_space<hbm>> -> memref<22912000xf32, #tpu.memory_space<hbm>>
      tpu.enqueue_indirect_dma source(%dma_start3A_128 : memref<22912000xf32, #tpu.memory_space<hbm>>) target(%dma_start3A_124 : memref<128xf32, #tpu.memory_space<vmem>>) offsets(%dma_start3A_126 : memref<128xi32, #tpu.memory_space<vmem>>) semaphore(%arg10 : memref<!tpu.dma_semaphore, #tpu.memory_space<semaphore_mem>>)
      %dma_start3A_129 = arith.constant 10 : i32
      %dma_start3A_130 = arith.constant 0 : i32
      %dma_start3A_131 = tpu.memref_slice %arg8[%dma_start3A_129, %dma_start3A_130] : memref<12x128xf32, #tpu.memory_space<vmem>> -> memref<1x128xf32, #tpu.memory_space<vmem>>
      %dma_start3A_132 = tpu.memref_squeeze %dma_start3A_131 : memref<1x128xf32, #tpu.memory_space<vmem>> -> memref<128xf32, #tpu.memory_space<vmem>>
      %dma_start3A_133 = arith.constant 1280 : i32
      %dma_start3A_134 = tpu.memref_slice %arg6[%dma_start3A_133] : memref<1536xi32, #tpu.memory_space<vmem>> -> memref<128xi32, #tpu.memory_space<vmem>>
      %dma_start3A_135 = arith.constant 0 : i32
      %dma_start3A_136 = tpu.memref_slice %arg2[%dma_start3A_135] : memref<22912000xf32, #tpu.memory_space<hbm>> -> memref<22912000xf32, #tpu.memory_space<hbm>>
      tpu.enqueue_indirect_dma source(%dma_start3A_136 : memref<22912000xf32, #tpu.memory_space<hbm>>) target(%dma_start3A_132 : memref<128xf32, #tpu.memory_space<vmem>>) offsets(%dma_start3A_134 : memref<128xi32, #tpu.memory_space<vmem>>) semaphore(%arg10 : memref<!tpu.dma_semaphore, #tpu.memory_space<semaphore_mem>>)
      %dma_start3A_137 = arith.constant 11 : i32
      %dma_start3A_138 = arith.constant 0 : i32
      %dma_start3A_139 = tpu.memref_slice %arg8[%dma_start3A_137, %dma_start3A_138] : memref<12x128xf32, #tpu.memory_space<vmem>> -> memref<1x128xf32, #tpu.memory_space<vmem>>
      %dma_start3A_140 = tpu.memref_squeeze %dma_start3A_139 : memref<1x128xf32, #tpu.memory_space<vmem>> -> memref<128xf32, #tpu.memory_space<vmem>>
      %dma_start3A_141 = arith.constant 1280 : i32
      %dma_start3A_142 = tpu.memref_slice %arg6[%dma_start3A_141] : memref<1536xi32, #tpu.memory_space<vmem>> -> memref<128xi32, #tpu.memory_space<vmem>>
      %dma_start3A_143 = arith.constant 0 : i32
      %dma_start3A_144 = tpu.memref_slice %arg2[%dma_start3A_143] : memref<22912000xf32, #tpu.memory_space<hbm>> -> memref<22912000xf32, #tpu.memory_space<hbm>>
      tpu.enqueue_indirect_dma source(%dma_start3A_144 : memref<22912000xf32, #tpu.memory_space<hbm>>) target(%dma_start3A_140 : memref<128xf32, #tpu.memory_space<vmem>>) offsets(%dma_start3A_142 : memref<128xi32, #tpu.memory_space<vmem>>) semaphore(%arg10 : memref<!tpu.dma_semaphore, #tpu.memory_space<semaphore_mem>>)
    } else {
    }
    %lt3A_9 = arith.constant 15 : i32
    %lt3A_10 = arith.cmpi slt, %add3A, %lt3A_9 : i32
    %convert_element_type3A_11 = arith.extui %lt3A_10 : i1 to i32
    %cond3A_12 = arith.constant 0 : i32
    %cond3A_13 = arith.cmpi ne, %convert_element_type3A_11, %cond3A_12 : i32
    scf.if %cond3A_13 {
      %broadcast_in_dim3A = arith.constant 0.000000e+00 : f32
      %broadcast_in_dim3A_18 = vector.broadcast %broadcast_in_dim3A : f32 to vector<16xf32>
      %dma_wait3A = arith.constant 0 : i32
      %dma_wait3A_19 = arith.constant 0 : i32
      %dma_wait3A_20 = tpu.memref_slice %arg8[%dma_wait3A, %dma_wait3A_19] : memref<12x128xf32, #tpu.memory_space<vmem>> -> memref<1x128xf32, #tpu.memory_space<vmem>>
      %dma_wait3A_21 = tpu.memref_squeeze %dma_wait3A_20 : memref<1x128xf32, #tpu.memory_space<vmem>> -> memref<128xf32, #tpu.memory_space<vmem>>
      %dma_wait3A_22 = arith.constant 0 : i32
      %dma_wait3A_23 = tpu.memref_slice %arg6[%dma_wait3A_22] : memref<1536xi32, #tpu.memory_space<vmem>> -> memref<128xi32, #tpu.memory_space<vmem>>
      %dma_wait3A_24 = arith.constant 0 : i32
      %dma_wait3A_25 = tpu.memref_slice %arg2[%dma_wait3A_24] : memref<22912000xf32, #tpu.memory_space<hbm>> -> memref<22912000xf32, #tpu.memory_space<hbm>>
      tpu.wait_indirect_dma semaphore(%arg10 : memref<!tpu.dma_semaphore, #tpu.memory_space<semaphore_mem>>) src(%dma_wait3A_25 : memref<22912000xf32, #tpu.memory_space<hbm>>) dst(%dma_wait3A_21 : memref<128xf32, #tpu.memory_space<vmem>>)
      %get3A = arith.constant 0 : i32
      %get3A_26 = arith.index_cast %get3A : i32 to index
      %get3A_27 = arith.constant 0 : index
      %get3A_28 = tpu.vector_load %arg8[%get3A_26, %get3A_27] {strides = array<i32>} : memref<12x128xf32, #tpu.memory_space<vmem>>, vector<1x16xf32>,
      %get3A_29 = vector.shape_cast %get3A_28 : vector<1x16xf32> to vector<16xf32>
      %get3A_30 = arith.constant 0 : index
      %get3A_31 = tpu.vector_load %arg7[%get3A_30] {strides = array<i32>} : memref<1536xf32, #tpu.memory_space<vmem>>, vector<16xf32>,
      %get3A_32 = vector.shape_cast %get3A_31 : vector<16xf32> to vector<16xf32>
      %mul3A_33 = arith.mulf %get3A_29, %get3A_32 : vector<16xf32>
      %add3A_34 = arith.addf %broadcast_in_dim3A_18, %mul3A_33 : vector<16xf32>
      %get3A_35 = arith.constant 0 : i32
      %get3A_36 = arith.index_cast %get3A_35 : i32 to index
      %get3A_37 = arith.constant 16 : index
      %get3A_38 = tpu.vector_load %arg8[%get3A_36, %get3A_37] {strides = array<i32>} : memref<12x128xf32, #tpu.memory_space<vmem>>, vector<1x16xf32>,
      %get3A_39 = vector.shape_cast %get3A_38 : vector<1x16xf32> to vector<16xf32>
      %get3A_40 = arith.constant 16 : index
      %get3A_41 = tpu.vector_load %arg7[%get3A_40] {strides = array<i32>} : memref<1536xf32, #tpu.memory_space<vmem>>, vector<16xf32>,
      %get3A_42 = vector.shape_cast %get3A_41 : vector<16xf32> to vector<16xf32>
      %mul3A_43 = arith.mulf %get3A_39, %get3A_42 : vector<16xf32>
      %add3A_44 = arith.addf %add3A_34, %mul3A_43 : vector<16xf32>
      %get3A_45 = arith.constant 0 : i32
      %get3A_46 = arith.index_cast %get3A_45 : i32 to index
      %get3A_47 = arith.constant 32 : index
      %get3A_48 = tpu.vector_load %arg8[%get3A_46, %get3A_47] {strides = array<i32>} : memref<12x128xf32, #tpu.memory_space<vmem>>, vector<1x16xf32>,
      %get3A_49 = vector.shape_cast %get3A_48 : vector<1x16xf32> to vector<16xf32>
      %get3A_50 = arith.constant 32 : index
      %get3A_51 = tpu.vector_load %arg7[%get3A_50] {strides = array<i32>} : memref<1536xf32, #tpu.memory_space<vmem>>, vector<16xf32>,
      %get3A_52 = vector.shape_cast %get3A_51 : vector<16xf32> to vector<16xf32>
      %mul3A_53 = arith.mulf %get3A_49, %get3A_52 : vector<16xf32>
      %add3A_54 = arith.addf %add3A_44, %mul3A_53 : vector<16xf32>
      %get3A_55 = arith.constant 0 : i32
      %get3A_56 = arith.index_cast %get3A_55 : i32 to index
      %get3A_57 = arith.constant 48 : index
      %get3A_58 = tpu.vector_load %arg8[%get3A_56, %get3A_57] {strides = array<i32>} : memref<12x128xf32, #tpu.memory_space<vmem>>, vector<1x16xf32>,
      %get3A_59 = vector.shape_cast %get3A_58 : vector<1x16xf32> to vector<16xf32>
      %get3A_60 = arith.constant 48 : index
      %get3A_61 = tpu.vector_load %arg7[%get3A_60] {strides = array<i32>} : memref<1536xf32, #tpu.memory_space<vmem>>, vector<16xf32>,
      %get3A_62 = vector.shape_cast %get3A_61 : vector<16xf32> to vector<16xf32>
      %mul3A_63 = arith.mulf %get3A_59, %get3A_62 : vector<16xf32>
      %add3A_64 = arith.addf %add3A_54, %mul3A_63 : vector<16xf32>
      %get3A_65 = arith.constant 0 : i32
      %get3A_66 = arith.index_cast %get3A_65 : i32 to index
      %get3A_67 = arith.constant 64 : index
      %get3A_68 = tpu.vector_load %arg8[%get3A_66, %get3A_67] {strides = array<i32>} : memref<12x128xf32, #tpu.memory_space<vmem>>, vector<1x16xf32>,
      %get3A_69 = vector.shape_cast %get3A_68 : vector<1x16xf32> to vector<16xf32>
      %get3A_70 = arith.constant 64 : index
      %get3A_71 = tpu.vector_load %arg7[%get3A_70] {strides = array<i32>} : memref<1536xf32, #tpu.memory_space<vmem>>, vector<16xf32>,
      %get3A_72 = vector.shape_cast %get3A_71 : vector<16xf32> to vector<16xf32>
      %mul3A_73 = arith.mulf %get3A_69, %get3A_72 : vector<16xf32>
      %add3A_74 = arith.addf %add3A_64, %mul3A_73 : vector<16xf32>
      %get3A_75 = arith.constant 0 : i32
      %get3A_76 = arith.index_cast %get3A_75 : i32 to index
      %get3A_77 = arith.constant 80 : index
      %get3A_78 = tpu.vector_load %arg8[%get3A_76, %get3A_77] {strides = array<i32>} : memref<12x128xf32, #tpu.memory_space<vmem>>, vector<1x16xf32>,
      %get3A_79 = vector.shape_cast %get3A_78 : vector<1x16xf32> to vector<16xf32>
      %get3A_80 = arith.constant 80 : index
      %get3A_81 = tpu.vector_load %arg7[%get3A_80] {strides = array<i32>} : memref<1536xf32, #tpu.memory_space<vmem>>, vector<16xf32>,
      %get3A_82 = vector.shape_cast %get3A_81 : vector<16xf32> to vector<16xf32>
      %mul3A_83 = arith.mulf %get3A_79, %get3A_82 : vector<16xf32>
      %add3A_84 = arith.addf %add3A_74, %mul3A_83 : vector<16xf32>
      %get3A_85 = arith.constant 0 : i32
      %get3A_86 = arith.index_cast %get3A_85 : i32 to index
      %get3A_87 = arith.constant 96 : index
      %get3A_88 = tpu.vector_load %arg8[%get3A_86, %get3A_87] {strides = array<i32>} : memref<12x128xf32, #tpu.memory_space<vmem>>, vector<1x16xf32>,
      %get3A_89 = vector.shape_cast %get3A_88 : vector<1x16xf32> to vector<16xf32>
      %get3A_90 = arith.constant 96 : index
      %get3A_91 = tpu.vector_load %arg7[%get3A_90] {strides = array<i32>} : memref<1536xf32, #tpu.memory_space<vmem>>, vector<16xf32>,
      %get3A_92 = vector.shape_cast %get3A_91 : vector<16xf32> to vector<16xf32>
      %mul3A_93 = arith.mulf %get3A_89, %get3A_92 : vector<16xf32>
      %add3A_94 = arith.addf %add3A_84, %mul3A_93 : vector<16xf32>
      %get3A_95 = arith.constant 0 : i32
      %get3A_96 = arith.index_cast %get3A_95 : i32 to index
      %get3A_97 = arith.constant 112 : index
      %get3A_98 = tpu.vector_load %arg8[%get3A_96, %get3A_97] {strides = array<i32>} : memref<12x128xf32, #tpu.memory_space<vmem>>, vector<1x16xf32>,
      %get3A_99 = vector.shape_cast %get3A_98 : vector<1x16xf32> to vector<16xf32>
      %get3A_100 = arith.constant 112 : index
      %get3A_101 = tpu.vector_load %arg7[%get3A_100] {strides = array<i32>} : memref<1536xf32, #tpu.memory_space<vmem>>, vector<16xf32>,
      %get3A_102 = vector.shape_cast %get3A_101 : vector<16xf32> to vector<16xf32>
      %mul3A_103 = arith.mulf %get3A_99, %get3A_102 : vector<16xf32>
      %add3A_104 = arith.addf %add3A_94, %mul3A_103 : vector<16xf32>
      %dma_wait3A_105 = arith.constant 1 : i32
      %dma_wait3A_106 = arith.constant 0 : i32
      %dma_wait3A_107 = tpu.memref_slice %arg8[%dma_wait3A_105, %dma_wait3A_106] : memref<12x128xf32, #tpu.memory_space<vmem>> -> memref<1x128xf32, #tpu.memory_space<vmem>>
      %dma_wait3A_108 = tpu.memref_squeeze %dma_wait3A_107 : memref<1x128xf32, #tpu.memory_space<vmem>> -> memref<128xf32, #tpu.memory_space<vmem>>
      %dma_wait3A_109 = arith.constant 0 : i32
      %dma_wait3A_110 = tpu.memref_slice %arg6[%dma_wait3A_109] : memref<1536xi32, #tpu.memory_space<vmem>> -> memref<128xi32, #tpu.memory_space<vmem>>
      %dma_wait3A_111 = arith.constant 0 : i32
      %dma_wait3A_112 = tpu.memref_slice %arg2[%dma_wait3A_111] : memref<22912000xf32, #tpu.memory_space<hbm>> -> memref<22912000xf32, #tpu.memory_space<hbm>>
      tpu.wait_indirect_dma semaphore(%arg10 : memref<!tpu.dma_semaphore, #tpu.memory_space<semaphore_mem>>) src(%dma_wait3A_112 : memref<22912000xf32, #tpu.memory_space<hbm>>) dst(%dma_wait3A_108 : memref<128xf32, #tpu.memory_space<vmem>>)
      %get3A_113 = arith.constant 1 : i32
      %get3A_114 = arith.index_cast %get3A_113 : i32 to index
      %get3A_115 = arith.constant 0 : index
      %get3A_116 = tpu.vector_load %arg8[%get3A_114, %get3A_115] {strides = array<i32>} : memref<12x128xf32, #tpu.memory_space<vmem>>, vector<1x16xf32>,
      %get3A_117 = vector.shape_cast %get3A_116 : vector<1x16xf32> to vector<16xf32>
      %get3A_118 = arith.constant 128 : index
      %get3A_119 = tpu.vector_load %arg7[%get3A_118] {strides = array<i32>} : memref<1536xf32, #tpu.memory_space<vmem>>, vector<16xf32>,
      %get3A_120 = vector.shape_cast %get3A_119 : vector<16xf32> to vector<16xf32>
      %mul3A_121 = arith.mulf %get3A_117, %get3A_120 : vector<16xf32>
      %add3A_122 = arith.addf %add3A_104, %mul3A_121 : vector<16xf32>
      %get3A_123 = arith.constant 1 : i32
      %get3A_124 = arith.index_cast %get3A_123 : i32 to index
      %get3A_125 = arith.constant 16 : index
      %get3A_126 = tpu.vector_load %arg8[%get3A_124, %get3A_125] {strides = array<i32>} : memref<12x128xf32, #tpu.memory_space<vmem>>, vector<1x16xf32>,
      %get3A_127 = vector.shape_cast %get3A_126 : vector<1x16xf32> to vector<16xf32>
      %get3A_128 = arith.constant 144 : index
      %get3A_129 = tpu.vector_load %arg7[%get3A_128] {strides = array<i32>} : memref<1536xf32, #tpu.memory_space<vmem>>, vector<16xf32>,
      %get3A_130 = vector.shape_cast %get3A_129 : vector<16xf32> to vector<16xf32>
      %mul3A_131 = arith.mulf %get3A_127, %get3A_130 : vector<16xf32>
      %add3A_132 = arith.addf %add3A_122, %mul3A_131 : vector<16xf32>
      %get3A_133 = arith.constant 1 : i32
      %get3A_134 = arith.index_cast %get3A_133 : i32 to index
      %get3A_135 = arith.constant 32 : index
      %get3A_136 = tpu.vector_load %arg8[%get3A_134, %get3A_135] {strides = array<i32>} : memref<12x128xf32, #tpu.memory_space<vmem>>, vector<1x16xf32>,
      %get3A_137 = vector.shape_cast %get3A_136 : vector<1x16xf32> to vector<16xf32>
      %get3A_138 = arith.constant 160 : index
      %get3A_139 = tpu.vector_load %arg7[%get3A_138] {strides = array<i32>} : memref<1536xf32, #tpu.memory_space<vmem>>, vector<16xf32>,
      %get3A_140 = vector.shape_cast %get3A_139 : vector<16xf32> to vector<16xf32>
      %mul3A_141 = arith.mulf %get3A_137, %get3A_140 : vector<16xf32>
      %add3A_142 = arith.addf %add3A_132, %mul3A_141 : vector<16xf32>
      %get3A_143 = arith.constant 1 : i32
      %get3A_144 = arith.index_cast %get3A_143 : i32 to index
      %get3A_145 = arith.constant 48 : index
      %get3A_146 = tpu.vector_load %arg8[%get3A_144, %get3A_145] {strides = array<i32>} : memref<12x128xf32, #tpu.memory_space<vmem>>, vector<1x16xf32>,
      %get3A_147 = vector.shape_cast %get3A_146 : vector<1x16xf32> to vector<16xf32>
      %get3A_148 = arith.constant 176 : index
      %get3A_149 = tpu.vector_load %arg7[%get3A_148] {strides = array<i32>} : memref<1536xf32, #tpu.memory_space<vmem>>, vector<16xf32>,
      %get3A_150 = vector.shape_cast %get3A_149 : vector<16xf32> to vector<16xf32>
      %mul3A_151 = arith.mulf %get3A_147, %get3A_150 : vector<16xf32>
      %add3A_152 = arith.addf %add3A_142, %mul3A_151 : vector<16xf32>
      %get3A_153 = arith.constant 1 : i32
      %get3A_154 = arith.index_cast %get3A_153 : i32 to index
      %get3A_155 = arith.constant 64 : index
      %get3A_156 = tpu.vector_load %arg8[%get3A_154, %get3A_155] {strides = array<i32>} : memref<12x128xf32, #tpu.memory_space<vmem>>, vector<1x16xf32>,
      %get3A_157 = vector.shape_cast %get3A_156 : vector<1x16xf32> to vector<16xf32>
      %get3A_158 = arith.constant 192 : index
      %get3A_159 = tpu.vector_load %arg7[%get3A_158] {strides = array<i32>} : memref<1536xf32, #tpu.memory_space<vmem>>, vector<16xf32>,
      %get3A_160 = vector.shape_cast %get3A_159 : vector<16xf32> to vector<16xf32>
      %mul3A_161 = arith.mulf %get3A_157, %get3A_160 : vector<16xf32>
      %add3A_162 = arith.addf %add3A_152, %mul3A_161 : vector<16xf32>
      %get3A_163 = arith.constant 1 : i32
      %get3A_164 = arith.index_cast %get3A_163 : i32 to index
      %get3A_165 = arith.constant 80 : index
      %get3A_166 = tpu.vector_load %arg8[%get3A_164, %get3A_165] {strides = array<i32>} : memref<12x128xf32, #tpu.memory_space<vmem>>, vector<1x16xf32>,
      %get3A_167 = vector.shape_cast %get3A_166 : vector<1x16xf32> to vector<16xf32>
      %get3A_168 = arith.constant 208 : index
      %get3A_169 = tpu.vector_load %arg7[%get3A_168] {strides = array<i32>} : memref<1536xf32, #tpu.memory_space<vmem>>, vector<16xf32>,
      %get3A_170 = vector.shape_cast %get3A_169 : vector<16xf32> to vector<16xf32>
      %mul3A_171 = arith.mulf %get3A_167, %get3A_170 : vector<16xf32>
      %add3A_172 = arith.addf %add3A_162, %mul3A_171 : vector<16xf32>
      %get3A_173 = arith.constant 1 : i32
      %get3A_174 = arith.index_cast %get3A_173 : i32 to index
      %get3A_175 = arith.constant 96 : index
      %get3A_176 = tpu.vector_load %arg8[%get3A_174, %get3A_175] {strides = array<i32>} : memref<12x128xf32, #tpu.memory_space<vmem>>, vector<1x16xf32>,
      %get3A_177 = vector.shape_cast %get3A_176 : vector<1x16xf32> to vector<16xf32>
      %get3A_178 = arith.constant 224 : index
      %get3A_179 = tpu.vector_load %arg7[%get3A_178] {strides = array<i32>} : memref<1536xf32, #tpu.memory_space<vmem>>, vector<16xf32>,
      %get3A_180 = vector.shape_cast %get3A_179 : vector<16xf32> to vector<16xf32>
      %mul3A_181 = arith.mulf %get3A_177, %get3A_180 : vector<16xf32>
      %add3A_182 = arith.addf %add3A_172, %mul3A_181 : vector<16xf32>
      %get3A_183 = arith.constant 1 : i32
      %get3A_184 = arith.index_cast %get3A_183 : i32 to index
      %get3A_185 = arith.constant 112 : index
      %get3A_186 = tpu.vector_load %arg8[%get3A_184, %get3A_185] {strides = array<i32>} : memref<12x128xf32, #tpu.memory_space<vmem>>, vector<1x16xf32>,
      %get3A_187 = vector.shape_cast %get3A_186 : vector<1x16xf32> to vector<16xf32>
      %get3A_188 = arith.constant 240 : index
      %get3A_189 = tpu.vector_load %arg7[%get3A_188] {strides = array<i32>} : memref<1536xf32, #tpu.memory_space<vmem>>, vector<16xf32>,
      %get3A_190 = vector.shape_cast %get3A_189 : vector<16xf32> to vector<16xf32>
      %mul3A_191 = arith.mulf %get3A_187, %get3A_190 : vector<16xf32>
      %add3A_192 = arith.addf %add3A_182, %mul3A_191 : vector<16xf32>
      %dma_wait3A_193 = arith.constant 2 : i32
      %dma_wait3A_194 = arith.constant 0 : i32
      %dma_wait3A_195 = tpu.memref_slice %arg8[%dma_wait3A_193, %dma_wait3A_194] : memref<12x128xf32, #tpu.memory_space<vmem>> -> memref<1x128xf32, #tpu.memory_space<vmem>>
      %dma_wait3A_196 = tpu.memref_squeeze %dma_wait3A_195 : memref<1x128xf32, #tpu.memory_space<vmem>> -> memref<128xf32, #tpu.memory_space<vmem>>
      %dma_wait3A_197 = arith.constant 0 : i32
      %dma_wait3A_198 = tpu.memref_slice %arg6[%dma_wait3A_197] : memref<1536xi32, #tpu.memory_space<vmem>> -> memref<128xi32, #tpu.memory_space<vmem>>
      %dma_wait3A_199 = arith.constant 0 : i32
      %dma_wait3A_200 = tpu.memref_slice %arg2[%dma_wait3A_199] : memref<22912000xf32, #tpu.memory_space<hbm>> -> memref<22912000xf32, #tpu.memory_space<hbm>>
      tpu.wait_indirect_dma semaphore(%arg10 : memref<!tpu.dma_semaphore, #tpu.memory_space<semaphore_mem>>) src(%dma_wait3A_200 : memref<22912000xf32, #tpu.memory_space<hbm>>) dst(%dma_wait3A_196 : memref<128xf32, #tpu.memory_space<vmem>>)
      %get3A_201 = arith.constant 2 : i32
      %get3A_202 = arith.index_cast %get3A_201 : i32 to index
      %get3A_203 = arith.constant 0 : index
      %get3A_204 = tpu.vector_load %arg8[%get3A_202, %get3A_203] {strides = array<i32>} : memref<12x128xf32, #tpu.memory_space<vmem>>, vector<1x16xf32>,
      %get3A_205 = vector.shape_cast %get3A_204 : vector<1x16xf32> to vector<16xf32>
      %get3A_206 = arith.constant 256 : index
      %get3A_207 = tpu.vector_load %arg7[%get3A_206] {strides = array<i32>} : memref<1536xf32, #tpu.memory_space<vmem>>, vector<16xf32>,
      %get3A_208 = vector.shape_cast %get3A_207 : vector<16xf32> to vector<16xf32>
      %mul3A_209 = arith.mulf %get3A_205, %get3A_208 : vector<16xf32>
      %add3A_210 = arith.addf %add3A_192, %mul3A_209 : vector<16xf32>
      %get3A_211 = arith.constant 2 : i32
      %get3A_212 = arith.index_cast %get3A_211 : i32 to index
      %get3A_213 = arith.constant 16 : index
      %get3A_214 = tpu.vector_load %arg8[%get3A_212, %get3A_213] {strides = array<i32>} : memref<12x128xf32, #tpu.memory_space<vmem>>, vector<1x16xf32>,
      %get3A_215 = vector.shape_cast %get3A_214 : vector<1x16xf32> to vector<16xf32>
      %get3A_216 = arith.constant 272 : index
      %get3A_217 = tpu.vector_load %arg7[%get3A_216] {strides = array<i32>} : memref<1536xf32, #tpu.memory_space<vmem>>, vector<16xf32>,
      %get3A_218 = vector.shape_cast %get3A_217 : vector<16xf32> to vector<16xf32>
      %mul3A_219 = arith.mulf %get3A_215, %get3A_218 : vector<16xf32>
      %add3A_220 = arith.addf %add3A_210, %mul3A_219 : vector<16xf32>
      %get3A_221 = arith.constant 2 : i32
      %get3A_222 = arith.index_cast %get3A_221 : i32 to index
      %get3A_223 = arith.constant 32 : index
      %get3A_224 = tpu.vector_load %arg8[%get3A_222, %get3A_223] {strides = array<i32>} : memref<12x128xf32, #tpu.memory_space<vmem>>, vector<1x16xf32>,
      %get3A_225 = vector.shape_cast %get3A_224 : vector<1x16xf32> to vector<16xf32>
      %get3A_226 = arith.constant 288 : index
      %get3A_227 = tpu.vector_load %arg7[%get3A_226] {strides = array<i32>} : memref<1536xf32, #tpu.memory_space<vmem>>, vector<16xf32>,
      %get3A_228 = vector.shape_cast %get3A_227 : vector<16xf32> to vector<16xf32>
      %mul3A_229 = arith.mulf %get3A_225, %get3A_228 : vector<16xf32>
      %add3A_230 = arith.addf %add3A_220, %mul3A_229 : vector<16xf32>
      %get3A_231 = arith.constant 2 : i32
      %get3A_232 = arith.index_cast %get3A_231 : i32 to index
      %get3A_233 = arith.constant 48 : index
      %get3A_234 = tpu.vector_load %arg8[%get3A_232, %get3A_233] {strides = array<i32>} : memref<12x128xf32, #tpu.memory_space<vmem>>, vector<1x16xf32>,
      %get3A_235 = vector.shape_cast %get3A_234 : vector<1x16xf32> to vector<16xf32>
      %get3A_236 = arith.constant 304 : index
      %get3A_237 = tpu.vector_load %arg7[%get3A_236] {strides = array<i32>} : memref<1536xf32, #tpu.memory_space<vmem>>, vector<16xf32>,
      %get3A_238 = vector.shape_cast %get3A_237 : vector<16xf32> to vector<16xf32>
      %mul3A_239 = arith.mulf %get3A_235, %get3A_238 : vector<16xf32>
      %add3A_240 = arith.addf %add3A_230, %mul3A_239 : vector<16xf32>
      %get3A_241 = arith.constant 2 : i32
      %get3A_242 = arith.index_cast %get3A_241 : i32 to index
      %get3A_243 = arith.constant 64 : index
      %get3A_244 = tpu.vector_load %arg8[%get3A_242, %get3A_243] {strides = array<i32>} : memref<12x128xf32, #tpu.memory_space<vmem>>, vector<1x16xf32>,
      %get3A_245 = vector.shape_cast %get3A_244 : vector<1x16xf32> to vector<16xf32>
      %get3A_246 = arith.constant 320 : index
      %get3A_247 = tpu.vector_load %arg7[%get3A_246] {strides = array<i32>} : memref<1536xf32, #tpu.memory_space<vmem>>, vector<16xf32>,
      %get3A_248 = vector.shape_cast %get3A_247 : vector<16xf32> to vector<16xf32>
      %mul3A_249 = arith.mulf %get3A_245, %get3A_248 : vector<16xf32>
      %add3A_250 = arith.addf %add3A_240, %mul3A_249 : vector<16xf32>
      %get3A_251 = arith.constant 2 : i32
      %get3A_252 = arith.index_cast %get3A_251 : i32 to index
      %get3A_253 = arith.constant 80 : index
      %get3A_254 = tpu.vector_load %arg8[%get3A_252, %get3A_253] {strides = array<i32>} : memref<12x128xf32, #tpu.memory_space<vmem>>, vector<1x16xf32>,
      %get3A_255 = vector.shape_cast %get3A_254 : vector<1x16xf32> to vector<16xf32>
      %get3A_256 = arith.constant 336 : index
      %get3A_257 = tpu.vector_load %arg7[%get3A_256] {strides = array<i32>} : memref<1536xf32, #tpu.memory_space<vmem>>, vector<16xf32>,
      %get3A_258 = vector.shape_cast %get3A_257 : vector<16xf32> to vector<16xf32>
      %mul3A_259 = arith.mulf %get3A_255, %get3A_258 : vector<16xf32>
      %add3A_260 = arith.addf %add3A_250, %mul3A_259 : vector<16xf32>
      %get3A_261 = arith.constant 2 : i32
      %get3A_262 = arith.index_cast %get3A_261 : i32 to index
      %get3A_263 = arith.constant 96 : index
      %get3A_264 = tpu.vector_load %arg8[%get3A_262, %get3A_263] {strides = array<i32>} : memref<12x128xf32, #tpu.memory_space<vmem>>, vector<1x16xf32>,
      %get3A_265 = vector.shape_cast %get3A_264 : vector<1x16xf32> to vector<16xf32>
      %get3A_266 = arith.constant 352 : index
      %get3A_267 = tpu.vector_load %arg7[%get3A_266] {strides = array<i32>} : memref<1536xf32, #tpu.memory_space<vmem>>, vector<16xf32>,
      %get3A_268 = vector.shape_cast %get3A_267 : vector<16xf32> to vector<16xf32>
      %mul3A_269 = arith.mulf %get3A_265, %get3A_268 : vector<16xf32>
      %add3A_270 = arith.addf %add3A_260, %mul3A_269 : vector<16xf32>
      %get3A_271 = arith.constant 2 : i32
      %get3A_272 = arith.index_cast %get3A_271 : i32 to index
      %get3A_273 = arith.constant 112 : index
      %get3A_274 = tpu.vector_load %arg8[%get3A_272, %get3A_273] {strides = array<i32>} : memref<12x128xf32, #tpu.memory_space<vmem>>, vector<1x16xf32>,
      %get3A_275 = vector.shape_cast %get3A_274 : vector<1x16xf32> to vector<16xf32>
      %get3A_276 = arith.constant 368 : index
      %get3A_277 = tpu.vector_load %arg7[%get3A_276] {strides = array<i32>} : memref<1536xf32, #tpu.memory_space<vmem>>, vector<16xf32>,
      %get3A_278 = vector.shape_cast %get3A_277 : vector<16xf32> to vector<16xf32>
      %mul3A_279 = arith.mulf %get3A_275, %get3A_278 : vector<16xf32>
      %add3A_280 = arith.addf %add3A_270, %mul3A_279 : vector<16xf32>
      %dma_wait3A_281 = arith.constant 3 : i32
      %dma_wait3A_282 = arith.constant 0 : i32
      %dma_wait3A_283 = tpu.memref_slice %arg8[%dma_wait3A_281, %dma_wait3A_282] : memref<12x128xf32, #tpu.memory_space<vmem>> -> memref<1x128xf32, #tpu.memory_space<vmem>>
      %dma_wait3A_284 = tpu.memref_squeeze %dma_wait3A_283 : memref<1x128xf32, #tpu.memory_space<vmem>> -> memref<128xf32, #tpu.memory_space<vmem>>
      %dma_wait3A_285 = arith.constant 0 : i32
      %dma_wait3A_286 = tpu.memref_slice %arg6[%dma_wait3A_285] : memref<1536xi32, #tpu.memory_space<vmem>> -> memref<128xi32, #tpu.memory_space<vmem>>
      %dma_wait3A_287 = arith.constant 0 : i32
      %dma_wait3A_288 = tpu.memref_slice %arg2[%dma_wait3A_287] : memref<22912000xf32, #tpu.memory_space<hbm>> -> memref<22912000xf32, #tpu.memory_space<hbm>>
      tpu.wait_indirect_dma semaphore(%arg10 : memref<!tpu.dma_semaphore, #tpu.memory_space<semaphore_mem>>) src(%dma_wait3A_288 : memref<22912000xf32, #tpu.memory_space<hbm>>) dst(%dma_wait3A_284 : memref<128xf32, #tpu.memory_space<vmem>>)
      %get3A_289 = arith.constant 3 : i32
      %get3A_290 = arith.index_cast %get3A_289 : i32 to index
      %get3A_291 = arith.constant 0 : index
      %get3A_292 = tpu.vector_load %arg8[%get3A_290, %get3A_291] {strides = array<i32>} : memref<12x128xf32, #tpu.memory_space<vmem>>, vector<1x16xf32>,
      %get3A_293 = vector.shape_cast %get3A_292 : vector<1x16xf32> to vector<16xf32>
      %get3A_294 = arith.constant 384 : index
      %get3A_295 = tpu.vector_load %arg7[%get3A_294] {strides = array<i32>} : memref<1536xf32, #tpu.memory_space<vmem>>, vector<16xf32>,
      %get3A_296 = vector.shape_cast %get3A_295 : vector<16xf32> to vector<16xf32>
      %mul3A_297 = arith.mulf %get3A_293, %get3A_296 : vector<16xf32>
      %add3A_298 = arith.addf %add3A_280, %mul3A_297 : vector<16xf32>
      %get3A_299 = arith.constant 3 : i32
      %get3A_300 = arith.index_cast %get3A_299 : i32 to index
      %get3A_301 = arith.constant 16 : index
      %get3A_302 = tpu.vector_load %arg8[%get3A_300, %get3A_301] {strides = array<i32>} : memref<12x128xf32, #tpu.memory_space<vmem>>, vector<1x16xf32>,
      %get3A_303 = vector.shape_cast %get3A_302 : vector<1x16xf32> to vector<16xf32>
      %get3A_304 = arith.constant 400 : index
      %get3A_305 = tpu.vector_load %arg7[%get3A_304] {strides = array<i32>} : memref<1536xf32, #tpu.memory_space<vmem>>, vector<16xf32>,
      %get3A_306 = vector.shape_cast %get3A_305 : vector<16xf32> to vector<16xf32>
      %mul3A_307 = arith.mulf %get3A_303, %get3A_306 : vector<16xf32>
      %add3A_308 = arith.addf %add3A_298, %mul3A_307 : vector<16xf32>
      %get3A_309 = arith.constant 3 : i32
      %get3A_310 = arith.index_cast %get3A_309 : i32 to index
      %get3A_311 = arith.constant 32 : index
      %get3A_312 = tpu.vector_load %arg8[%get3A_310, %get3A_311] {strides = array<i32>} : memref<12x128xf32, #tpu.memory_space<vmem>>, vector<1x16xf32>,
      %get3A_313 = vector.shape_cast %get3A_312 : vector<1x16xf32> to vector<16xf32>
      %get3A_314 = arith.constant 416 : index
      %get3A_315 = tpu.vector_load %arg7[%get3A_314] {strides = array<i32>} : memref<1536xf32, #tpu.memory_space<vmem>>, vector<16xf32>,
      %get3A_316 = vector.shape_cast %get3A_315 : vector<16xf32> to vector<16xf32>
      %mul3A_317 = arith.mulf %get3A_313, %get3A_316 : vector<16xf32>
      %add3A_318 = arith.addf %add3A_308, %mul3A_317 : vector<16xf32>
      %get3A_319 = arith.constant 3 : i32
      %get3A_320 = arith.index_cast %get3A_319 : i32 to index
      %get3A_321 = arith.constant 48 : index
      %get3A_322 = tpu.vector_load %arg8[%get3A_320, %get3A_321] {strides = array<i32>} : memref<12x128xf32, #tpu.memory_space<vmem>>, vector<1x16xf32>,
      %get3A_323 = vector.shape_cast %get3A_322 : vector<1x16xf32> to vector<16xf32>
      %get3A_324 = arith.constant 432 : index
      %get3A_325 = tpu.vector_load %arg7[%get3A_324] {strides = array<i32>} : memref<1536xf32, #tpu.memory_space<vmem>>, vector<16xf32>,
      %get3A_326 = vector.shape_cast %get3A_325 : vector<16xf32> to vector<16xf32>
      %mul3A_327 = arith.mulf %get3A_323, %get3A_326 : vector<16xf32>
      %add3A_328 = arith.addf %add3A_318, %mul3A_327 : vector<16xf32>
      %get3A_329 = arith.constant 3 : i32
      %get3A_330 = arith.index_cast %get3A_329 : i32 to index
      %get3A_331 = arith.constant 64 : index
      %get3A_332 = tpu.vector_load %arg8[%get3A_330, %get3A_331] {strides = array<i32>} : memref<12x128xf32, #tpu.memory_space<vmem>>, vector<1x16xf32>,
      %get3A_333 = vector.shape_cast %get3A_332 : vector<1x16xf32> to vector<16xf32>
      %get3A_334 = arith.constant 448 : index
      %get3A_335 = tpu.vector_load %arg7[%get3A_334] {strides = array<i32>} : memref<1536xf32, #tpu.memory_space<vmem>>, vector<16xf32>,
      %get3A_336 = vector.shape_cast %get3A_335 : vector<16xf32> to vector<16xf32>
      %mul3A_337 = arith.mulf %get3A_333, %get3A_336 : vector<16xf32>
      %add3A_338 = arith.addf %add3A_328, %mul3A_337 : vector<16xf32>
      %get3A_339 = arith.constant 3 : i32
      %get3A_340 = arith.index_cast %get3A_339 : i32 to index
      %get3A_341 = arith.constant 80 : index
      %get3A_342 = tpu.vector_load %arg8[%get3A_340, %get3A_341] {strides = array<i32>} : memref<12x128xf32, #tpu.memory_space<vmem>>, vector<1x16xf32>,
      %get3A_343 = vector.shape_cast %get3A_342 : vector<1x16xf32> to vector<16xf32>
      %get3A_344 = arith.constant 464 : index
      %get3A_345 = tpu.vector_load %arg7[%get3A_344] {strides = array<i32>} : memref<1536xf32, #tpu.memory_space<vmem>>, vector<16xf32>,
      %get3A_346 = vector.shape_cast %get3A_345 : vector<16xf32> to vector<16xf32>
      %mul3A_347 = arith.mulf %get3A_343, %get3A_346 : vector<16xf32>
      %add3A_348 = arith.addf %add3A_338, %mul3A_347 : vector<16xf32>
      %get3A_349 = arith.constant 3 : i32
      %get3A_350 = arith.index_cast %get3A_349 : i32 to index
      %get3A_351 = arith.constant 96 : index
      %get3A_352 = tpu.vector_load %arg8[%get3A_350, %get3A_351] {strides = array<i32>} : memref<12x128xf32, #tpu.memory_space<vmem>>, vector<1x16xf32>,
      %get3A_353 = vector.shape_cast %get3A_352 : vector<1x16xf32> to vector<16xf32>
      %get3A_354 = arith.constant 480 : index
      %get3A_355 = tpu.vector_load %arg7[%get3A_354] {strides = array<i32>} : memref<1536xf32, #tpu.memory_space<vmem>>, vector<16xf32>,
      %get3A_356 = vector.shape_cast %get3A_355 : vector<16xf32> to vector<16xf32>
      %mul3A_357 = arith.mulf %get3A_353, %get3A_356 : vector<16xf32>
      %add3A_358 = arith.addf %add3A_348, %mul3A_357 : vector<16xf32>
      %get3A_359 = arith.constant 3 : i32
      %get3A_360 = arith.index_cast %get3A_359 : i32 to index
      %get3A_361 = arith.constant 112 : index
      %get3A_362 = tpu.vector_load %arg8[%get3A_360, %get3A_361] {strides = array<i32>} : memref<12x128xf32, #tpu.memory_space<vmem>>, vector<1x16xf32>,
      %get3A_363 = vector.shape_cast %get3A_362 : vector<1x16xf32> to vector<16xf32>
      %get3A_364 = arith.constant 496 : index
      %get3A_365 = tpu.vector_load %arg7[%get3A_364] {strides = array<i32>} : memref<1536xf32, #tpu.memory_space<vmem>>, vector<16xf32>,
      %get3A_366 = vector.shape_cast %get3A_365 : vector<16xf32> to vector<16xf32>
      %mul3A_367 = arith.mulf %get3A_363, %get3A_366 : vector<16xf32>
      %add3A_368 = arith.addf %add3A_358, %mul3A_367 : vector<16xf32>
      %dma_wait3A_369 = arith.constant 4 : i32
      %dma_wait3A_370 = arith.constant 0 : i32
      %dma_wait3A_371 = tpu.memref_slice %arg8[%dma_wait3A_369, %dma_wait3A_370] : memref<12x128xf32, #tpu.memory_space<vmem>> -> memref<1x128xf32, #tpu.memory_space<vmem>>
      %dma_wait3A_372 = tpu.memref_squeeze %dma_wait3A_371 : memref<1x128xf32, #tpu.memory_space<vmem>> -> memref<128xf32, #tpu.memory_space<vmem>>
      %dma_wait3A_373 = arith.constant 0 : i32
      %dma_wait3A_374 = tpu.memref_slice %arg6[%dma_wait3A_373] : memref<1536xi32, #tpu.memory_space<vmem>> -> memref<128xi32, #tpu.memory_space<vmem>>
      %dma_wait3A_375 = arith.constant 0 : i32
      %dma_wait3A_376 = tpu.memref_slice %arg2[%dma_wait3A_375] : memref<22912000xf32, #tpu.memory_space<hbm>> -> memref<22912000xf32, #tpu.memory_space<hbm>>
      tpu.wait_indirect_dma semaphore(%arg10 : memref<!tpu.dma_semaphore, #tpu.memory_space<semaphore_mem>>) src(%dma_wait3A_376 : memref<22912000xf32, #tpu.memory_space<hbm>>) dst(%dma_wait3A_372 : memref<128xf32, #tpu.memory_space<vmem>>)
      %get3A_377 = arith.constant 4 : i32
      %get3A_378 = arith.index_cast %get3A_377 : i32 to index
      %get3A_379 = arith.constant 0 : index
      %get3A_380 = tpu.vector_load %arg8[%get3A_378, %get3A_379] {strides = array<i32>} : memref<12x128xf32, #tpu.memory_space<vmem>>, vector<1x16xf32>,
      %get3A_381 = vector.shape_cast %get3A_380 : vector<1x16xf32> to vector<16xf32>
      %get3A_382 = arith.constant 512 : index
      %get3A_383 = tpu.vector_load %arg7[%get3A_382] {strides = array<i32>} : memref<1536xf32, #tpu.memory_space<vmem>>, vector<16xf32>,
      %get3A_384 = vector.shape_cast %get3A_383 : vector<16xf32> to vector<16xf32>
      %mul3A_385 = arith.mulf %get3A_381, %get3A_384 : vector<16xf32>
      %add3A_386 = arith.addf %add3A_368, %mul3A_385 : vector<16xf32>
      %get3A_387 = arith.constant 4 : i32
      %get3A_388 = arith.index_cast %get3A_387 : i32 to index
      %get3A_389 = arith.constant 16 : index
      %get3A_390 = tpu.vector_load %arg8[%get3A_388, %get3A_389] {strides = array<i32>} : memref<12x128xf32, #tpu.memory_space<vmem>>, vector<1x16xf32>,
      %get3A_391 = vector.shape_cast %get3A_390 : vector<1x16xf32> to vector<16xf32>
      %get3A_392 = arith.constant 528 : index
      %get3A_393 = tpu.vector_load %arg7[%get3A_392] {strides = array<i32>} : memref<1536xf32, #tpu.memory_space<vmem>>, vector<16xf32>,
      %get3A_394 = vector.shape_cast %get3A_393 : vector<16xf32> to vector<16xf32>
      %mul3A_395 = arith.mulf %get3A_391, %get3A_394 : vector<16xf32>
      %add3A_396 = arith.addf %add3A_386, %mul3A_395 : vector<16xf32>
      %get3A_397 = arith.constant 4 : i32
      %get3A_398 = arith.index_cast %get3A_397 : i32 to index
      %get3A_399 = arith.constant 32 : index
      %get3A_400 = tpu.vector_load %arg8[%get3A_398, %get3A_399] {strides = array<i32>} : memref<12x128xf32, #tpu.memory_space<vmem>>, vector<1x16xf32>,
      %get3A_401 = vector.shape_cast %get3A_400 : vector<1x16xf32> to vector<16xf32>
      %get3A_402 = arith.constant 544 : index
      %get3A_403 = tpu.vector_load %arg7[%get3A_402] {strides = array<i32>} : memref<1536xf32, #tpu.memory_space<vmem>>, vector<16xf32>,
      %get3A_404 = vector.shape_cast %get3A_403 : vector<16xf32> to vector<16xf32>
      %mul3A_405 = arith.mulf %get3A_401, %get3A_404 : vector<16xf32>
      %add3A_406 = arith.addf %add3A_396, %mul3A_405 : vector<16xf32>
      %get3A_407 = arith.constant 4 : i32
      %get3A_408 = arith.index_cast %get3A_407 : i32 to index
      %get3A_409 = arith.constant 48 : index
      %get3A_410 = tpu.vector_load %arg8[%get3A_408, %get3A_409] {strides = array<i32>} : memref<12x128xf32, #tpu.memory_space<vmem>>, vector<1x16xf32>,
      %get3A_411 = vector.shape_cast %get3A_410 : vector<1x16xf32> to vector<16xf32>
      %get3A_412 = arith.constant 560 : index
      %get3A_413 = tpu.vector_load %arg7[%get3A_412] {strides = array<i32>} : memref<1536xf32, #tpu.memory_space<vmem>>, vector<16xf32>,
      %get3A_414 = vector.shape_cast %get3A_413 : vector<16xf32> to vector<16xf32>
      %mul3A_415 = arith.mulf %get3A_411, %get3A_414 : vector<16xf32>
      %add3A_416 = arith.addf %add3A_406, %mul3A_415 : vector<16xf32>
      %get3A_417 = arith.constant 4 : i32
      %get3A_418 = arith.index_cast %get3A_417 : i32 to index
      %get3A_419 = arith.constant 64 : index
      %get3A_420 = tpu.vector_load %arg8[%get3A_418, %get3A_419] {strides = array<i32>} : memref<12x128xf32, #tpu.memory_space<vmem>>, vector<1x16xf32>,
      %get3A_421 = vector.shape_cast %get3A_420 : vector<1x16xf32> to vector<16xf32>
      %get3A_422 = arith.constant 576 : index
      %get3A_423 = tpu.vector_load %arg7[%get3A_422] {strides = array<i32>} : memref<1536xf32, #tpu.memory_space<vmem>>, vector<16xf32>,
      %get3A_424 = vector.shape_cast %get3A_423 : vector<16xf32> to vector<16xf32>
      %mul3A_425 = arith.mulf %get3A_421, %get3A_424 : vector<16xf32>
      %add3A_426 = arith.addf %add3A_416, %mul3A_425 : vector<16xf32>
      %get3A_427 = arith.constant 4 : i32
      %get3A_428 = arith.index_cast %get3A_427 : i32 to index
      %get3A_429 = arith.constant 80 : index
      %get3A_430 = tpu.vector_load %arg8[%get3A_428, %get3A_429] {strides = array<i32>} : memref<12x128xf32, #tpu.memory_space<vmem>>, vector<1x16xf32>,
      %get3A_431 = vector.shape_cast %get3A_430 : vector<1x16xf32> to vector<16xf32>
      %get3A_432 = arith.constant 592 : index
      %get3A_433 = tpu.vector_load %arg7[%get3A_432] {strides = array<i32>} : memref<1536xf32, #tpu.memory_space<vmem>>, vector<16xf32>,
      %get3A_434 = vector.shape_cast %get3A_433 : vector<16xf32> to vector<16xf32>
      %mul3A_435 = arith.mulf %get3A_431, %get3A_434 : vector<16xf32>
      %add3A_436 = arith.addf %add3A_426, %mul3A_435 : vector<16xf32>
      %get3A_437 = arith.constant 4 : i32
      %get3A_438 = arith.index_cast %get3A_437 : i32 to index
      %get3A_439 = arith.constant 96 : index
      %get3A_440 = tpu.vector_load %arg8[%get3A_438, %get3A_439] {strides = array<i32>} : memref<12x128xf32, #tpu.memory_space<vmem>>, vector<1x16xf32>,
      %get3A_441 = vector.shape_cast %get3A_440 : vector<1x16xf32> to vector<16xf32>
      %get3A_442 = arith.constant 608 : index
      %get3A_443 = tpu.vector_load %arg7[%get3A_442] {strides = array<i32>} : memref<1536xf32, #tpu.memory_space<vmem>>, vector<16xf32>,
      %get3A_444 = vector.shape_cast %get3A_443 : vector<16xf32> to vector<16xf32>
      %mul3A_445 = arith.mulf %get3A_441, %get3A_444 : vector<16xf32>
      %add3A_446 = arith.addf %add3A_436, %mul3A_445 : vector<16xf32>
      %get3A_447 = arith.constant 4 : i32
      %get3A_448 = arith.index_cast %get3A_447 : i32 to index
      %get3A_449 = arith.constant 112 : index
      %get3A_450 = tpu.vector_load %arg8[%get3A_448, %get3A_449] {strides = array<i32>} : memref<12x128xf32, #tpu.memory_space<vmem>>, vector<1x16xf32>,
      %get3A_451 = vector.shape_cast %get3A_450 : vector<1x16xf32> to vector<16xf32>
      %get3A_452 = arith.constant 624 : index
      %get3A_453 = tpu.vector_load %arg7[%get3A_452] {strides = array<i32>} : memref<1536xf32, #tpu.memory_space<vmem>>, vector<16xf32>,
      %get3A_454 = vector.shape_cast %get3A_453 : vector<16xf32> to vector<16xf32>
      %mul3A_455 = arith.mulf %get3A_451, %get3A_454 : vector<16xf32>
      %add3A_456 = arith.addf %add3A_446, %mul3A_455 : vector<16xf32>
      %dma_wait3A_457 = arith.constant 5 : i32
      %dma_wait3A_458 = arith.constant 0 : i32
      %dma_wait3A_459 = tpu.memref_slice %arg8[%dma_wait3A_457, %dma_wait3A_458] : memref<12x128xf32, #tpu.memory_space<vmem>> -> memref<1x128xf32, #tpu.memory_space<vmem>>
      %dma_wait3A_460 = tpu.memref_squeeze %dma_wait3A_459 : memref<1x128xf32, #tpu.memory_space<vmem>> -> memref<128xf32, #tpu.memory_space<vmem>>
      %dma_wait3A_461 = arith.constant 0 : i32
      %dma_wait3A_462 = tpu.memref_slice %arg6[%dma_wait3A_461] : memref<1536xi32, #tpu.memory_space<vmem>> -> memref<128xi32, #tpu.memory_space<vmem>>
      %dma_wait3A_463 = arith.constant 0 : i32
      %dma_wait3A_464 = tpu.memref_slice %arg2[%dma_wait3A_463] : memref<22912000xf32, #tpu.memory_space<hbm>> -> memref<22912000xf32, #tpu.memory_space<hbm>>
      tpu.wait_indirect_dma semaphore(%arg10 : memref<!tpu.dma_semaphore, #tpu.memory_space<semaphore_mem>>) src(%dma_wait3A_464 : memref<22912000xf32, #tpu.memory_space<hbm>>) dst(%dma_wait3A_460 : memref<128xf32, #tpu.memory_space<vmem>>)
      %get3A_465 = arith.constant 5 : i32
      %get3A_466 = arith.index_cast %get3A_465 : i32 to index
      %get3A_467 = arith.constant 0 : index
      %get3A_468 = tpu.vector_load %arg8[%get3A_466, %get3A_467] {strides = array<i32>} : memref<12x128xf32, #tpu.memory_space<vmem>>, vector<1x16xf32>,
      %get3A_469 = vector.shape_cast %get3A_468 : vector<1x16xf32> to vector<16xf32>
      %get3A_470 = arith.constant 640 : index
      %get3A_471 = tpu.vector_load %arg7[%get3A_470] {strides = array<i32>} : memref<1536xf32, #tpu.memory_space<vmem>>, vector<16xf32>,
      %get3A_472 = vector.shape_cast %get3A_471 : vector<16xf32> to vector<16xf32>
      %mul3A_473 = arith.mulf %get3A_469, %get3A_472 : vector<16xf32>
      %add3A_474 = arith.addf %add3A_456, %mul3A_473 : vector<16xf32>
      %get3A_475 = arith.constant 5 : i32
      %get3A_476 = arith.index_cast %get3A_475 : i32 to index
      %get3A_477 = arith.constant 16 : index
      %get3A_478 = tpu.vector_load %arg8[%get3A_476, %get3A_477] {strides = array<i32>} : memref<12x128xf32, #tpu.memory_space<vmem>>, vector<1x16xf32>,
      %get3A_479 = vector.shape_cast %get3A_478 : vector<1x16xf32> to vector<16xf32>
      %get3A_480 = arith.constant 656 : index
      %get3A_481 = tpu.vector_load %arg7[%get3A_480] {strides = array<i32>} : memref<1536xf32, #tpu.memory_space<vmem>>, vector<16xf32>,
      %get3A_482 = vector.shape_cast %get3A_481 : vector<16xf32> to vector<16xf32>
      %mul3A_483 = arith.mulf %get3A_479, %get3A_482 : vector<16xf32>
      %add3A_484 = arith.addf %add3A_474, %mul3A_483 : vector<16xf32>
      %get3A_485 = arith.constant 5 : i32
      %get3A_486 = arith.index_cast %get3A_485 : i32 to index
      %get3A_487 = arith.constant 32 : index
      %get3A_488 = tpu.vector_load %arg8[%get3A_486, %get3A_487] {strides = array<i32>} : memref<12x128xf32, #tpu.memory_space<vmem>>, vector<1x16xf32>,
      %get3A_489 = vector.shape_cast %get3A_488 : vector<1x16xf32> to vector<16xf32>
      %get3A_490 = arith.constant 672 : index
      %get3A_491 = tpu.vector_load %arg7[%get3A_490] {strides = array<i32>} : memref<1536xf32, #tpu.memory_space<vmem>>, vector<16xf32>,
      %get3A_492 = vector.shape_cast %get3A_491 : vector<16xf32> to vector<16xf32>
      %mul3A_493 = arith.mulf %get3A_489, %get3A_492 : vector<16xf32>
      %add3A_494 = arith.addf %add3A_484, %mul3A_493 : vector<16xf32>
      %get3A_495 = arith.constant 5 : i32
      %get3A_496 = arith.index_cast %get3A_495 : i32 to index
      %get3A_497 = arith.constant 48 : index
      %get3A_498 = tpu.vector_load %arg8[%get3A_496, %get3A_497] {strides = array<i32>} : memref<12x128xf32, #tpu.memory_space<vmem>>, vector<1x16xf32>,
      %get3A_499 = vector.shape_cast %get3A_498 : vector<1x16xf32> to vector<16xf32>
      %get3A_500 = arith.constant 688 : index
      %get3A_501 = tpu.vector_load %arg7[%get3A_500] {strides = array<i32>} : memref<1536xf32, #tpu.memory_space<vmem>>, vector<16xf32>,
      %get3A_502 = vector.shape_cast %get3A_501 : vector<16xf32> to vector<16xf32>
      %mul3A_503 = arith.mulf %get3A_499, %get3A_502 : vector<16xf32>
      %add3A_504 = arith.addf %add3A_494, %mul3A_503 : vector<16xf32>
      %get3A_505 = arith.constant 5 : i32
      %get3A_506 = arith.index_cast %get3A_505 : i32 to index
      %get3A_507 = arith.constant 64 : index
      %get3A_508 = tpu.vector_load %arg8[%get3A_506, %get3A_507] {strides = array<i32>} : memref<12x128xf32, #tpu.memory_space<vmem>>, vector<1x16xf32>,
      %get3A_509 = vector.shape_cast %get3A_508 : vector<1x16xf32> to vector<16xf32>
      %get3A_510 = arith.constant 704 : index
      %get3A_511 = tpu.vector_load %arg7[%get3A_510] {strides = array<i32>} : memref<1536xf32, #tpu.memory_space<vmem>>, vector<16xf32>,
      %get3A_512 = vector.shape_cast %get3A_511 : vector<16xf32> to vector<16xf32>
      %mul3A_513 = arith.mulf %get3A_509, %get3A_512 : vector<16xf32>
      %add3A_514 = arith.addf %add3A_504, %mul3A_513 : vector<16xf32>
      %get3A_515 = arith.constant 5 : i32
      %get3A_516 = arith.index_cast %get3A_515 : i32 to index
      %get3A_517 = arith.constant 80 : index
      %get3A_518 = tpu.vector_load %arg8[%get3A_516, %get3A_517] {strides = array<i32>} : memref<12x128xf32, #tpu.memory_space<vmem>>, vector<1x16xf32>,
      %get3A_519 = vector.shape_cast %get3A_518 : vector<1x16xf32> to vector<16xf32>
      %get3A_520 = arith.constant 720 : index
      %get3A_521 = tpu.vector_load %arg7[%get3A_520] {strides = array<i32>} : memref<1536xf32, #tpu.memory_space<vmem>>, vector<16xf32>,
      %get3A_522 = vector.shape_cast %get3A_521 : vector<16xf32> to vector<16xf32>
      %mul3A_523 = arith.mulf %get3A_519, %get3A_522 : vector<16xf32>
      %add3A_524 = arith.addf %add3A_514, %mul3A_523 : vector<16xf32>
      %get3A_525 = arith.constant 5 : i32
      %get3A_526 = arith.index_cast %get3A_525 : i32 to index
      %get3A_527 = arith.constant 96 : index
      %get3A_528 = tpu.vector_load %arg8[%get3A_526, %get3A_527] {strides = array<i32>} : memref<12x128xf32, #tpu.memory_space<vmem>>, vector<1x16xf32>,
      %get3A_529 = vector.shape_cast %get3A_528 : vector<1x16xf32> to vector<16xf32>
      %get3A_530 = arith.constant 736 : index
      %get3A_531 = tpu.vector_load %arg7[%get3A_530] {strides = array<i32>} : memref<1536xf32, #tpu.memory_space<vmem>>, vector<16xf32>,
      %get3A_532 = vector.shape_cast %get3A_531 : vector<16xf32> to vector<16xf32>
      %mul3A_533 = arith.mulf %get3A_529, %get3A_532 : vector<16xf32>
      %add3A_534 = arith.addf %add3A_524, %mul3A_533 : vector<16xf32>
      %get3A_535 = arith.constant 5 : i32
      %get3A_536 = arith.index_cast %get3A_535 : i32 to index
      %get3A_537 = arith.constant 112 : index
      %get3A_538 = tpu.vector_load %arg8[%get3A_536, %get3A_537] {strides = array<i32>} : memref<12x128xf32, #tpu.memory_space<vmem>>, vector<1x16xf32>,
      %get3A_539 = vector.shape_cast %get3A_538 : vector<1x16xf32> to vector<16xf32>
      %get3A_540 = arith.constant 752 : index
      %get3A_541 = tpu.vector_load %arg7[%get3A_540] {strides = array<i32>} : memref<1536xf32, #tpu.memory_space<vmem>>, vector<16xf32>,
      %get3A_542 = vector.shape_cast %get3A_541 : vector<16xf32> to vector<16xf32>
      %mul3A_543 = arith.mulf %get3A_539, %get3A_542 : vector<16xf32>
      %add3A_544 = arith.addf %add3A_534, %mul3A_543 : vector<16xf32>
      %dma_wait3A_545 = arith.constant 6 : i32
      %dma_wait3A_546 = arith.constant 0 : i32
      %dma_wait3A_547 = tpu.memref_slice %arg8[%dma_wait3A_545, %dma_wait3A_546] : memref<12x128xf32, #tpu.memory_space<vmem>> -> memref<1x128xf32, #tpu.memory_space<vmem>>
      %dma_wait3A_548 = tpu.memref_squeeze %dma_wait3A_547 : memref<1x128xf32, #tpu.memory_space<vmem>> -> memref<128xf32, #tpu.memory_space<vmem>>
      %dma_wait3A_549 = arith.constant 0 : i32
      %dma_wait3A_550 = tpu.memref_slice %arg6[%dma_wait3A_549] : memref<1536xi32, #tpu.memory_space<vmem>> -> memref<128xi32, #tpu.memory_space<vmem>>
      %dma_wait3A_551 = arith.constant 0 : i32
      %dma_wait3A_552 = tpu.memref_slice %arg2[%dma_wait3A_551] : memref<22912000xf32, #tpu.memory_space<hbm>> -> memref<22912000xf32, #tpu.memory_space<hbm>>
      tpu.wait_indirect_dma semaphore(%arg10 : memref<!tpu.dma_semaphore, #tpu.memory_space<semaphore_mem>>) src(%dma_wait3A_552 : memref<22912000xf32, #tpu.memory_space<hbm>>) dst(%dma_wait3A_548 : memref<128xf32, #tpu.memory_space<vmem>>)
      %get3A_553 = arith.constant 6 : i32
      %get3A_554 = arith.index_cast %get3A_553 : i32 to index
      %get3A_555 = arith.constant 0 : index
      %get3A_556 = tpu.vector_load %arg8[%get3A_554, %get3A_555] {strides = array<i32>} : memref<12x128xf32, #tpu.memory_space<vmem>>, vector<1x16xf32>,
      %get3A_557 = vector.shape_cast %get3A_556 : vector<1x16xf32> to vector<16xf32>
      %get3A_558 = arith.constant 768 : index
      %get3A_559 = tpu.vector_load %arg7[%get3A_558] {strides = array<i32>} : memref<1536xf32, #tpu.memory_space<vmem>>, vector<16xf32>,
      %get3A_560 = vector.shape_cast %get3A_559 : vector<16xf32> to vector<16xf32>
      %mul3A_561 = arith.mulf %get3A_557, %get3A_560 : vector<16xf32>
      %add3A_562 = arith.addf %add3A_544, %mul3A_561 : vector<16xf32>
      %get3A_563 = arith.constant 6 : i32
      %get3A_564 = arith.index_cast %get3A_563 : i32 to index
      %get3A_565 = arith.constant 16 : index
      %get3A_566 = tpu.vector_load %arg8[%get3A_564, %get3A_565] {strides = array<i32>} : memref<12x128xf32, #tpu.memory_space<vmem>>, vector<1x16xf32>,
      %get3A_567 = vector.shape_cast %get3A_566 : vector<1x16xf32> to vector<16xf32>
      %get3A_568 = arith.constant 784 : index
      %get3A_569 = tpu.vector_load %arg7[%get3A_568] {strides = array<i32>} : memref<1536xf32, #tpu.memory_space<vmem>>, vector<16xf32>,
      %get3A_570 = vector.shape_cast %get3A_569 : vector<16xf32> to vector<16xf32>
      %mul3A_571 = arith.mulf %get3A_567, %get3A_570 : vector<16xf32>
      %add3A_572 = arith.addf %add3A_562, %mul3A_571 : vector<16xf32>
      %get3A_573 = arith.constant 6 : i32
      %get3A_574 = arith.index_cast %get3A_573 : i32 to index
      %get3A_575 = arith.constant 32 : index
      %get3A_576 = tpu.vector_load %arg8[%get3A_574, %get3A_575] {strides = array<i32>} : memref<12x128xf32, #tpu.memory_space<vmem>>, vector<1x16xf32>,
      %get3A_577 = vector.shape_cast %get3A_576 : vector<1x16xf32> to vector<16xf32>
      %get3A_578 = arith.constant 800 : index
      %get3A_579 = tpu.vector_load %arg7[%get3A_578] {strides = array<i32>} : memref<1536xf32, #tpu.memory_space<vmem>>, vector<16xf32>,
      %get3A_580 = vector.shape_cast %get3A_579 : vector<16xf32> to vector<16xf32>
      %mul3A_581 = arith.mulf %get3A_577, %get3A_580 : vector<16xf32>
      %add3A_582 = arith.addf %add3A_572, %mul3A_581 : vector<16xf32>
      %get3A_583 = arith.constant 6 : i32
      %get3A_584 = arith.index_cast %get3A_583 : i32 to index
      %get3A_585 = arith.constant 48 : index
      %get3A_586 = tpu.vector_load %arg8[%get3A_584, %get3A_585] {strides = array<i32>} : memref<12x128xf32, #tpu.memory_space<vmem>>, vector<1x16xf32>,
      %get3A_587 = vector.shape_cast %get3A_586 : vector<1x16xf32> to vector<16xf32>
      %get3A_588 = arith.constant 816 : index
      %get3A_589 = tpu.vector_load %arg7[%get3A_588] {strides = array<i32>} : memref<1536xf32, #tpu.memory_space<vmem>>, vector<16xf32>,
      %get3A_590 = vector.shape_cast %get3A_589 : vector<16xf32> to vector<16xf32>
      %mul3A_591 = arith.mulf %get3A_587, %get3A_590 : vector<16xf32>
      %add3A_592 = arith.addf %add3A_582, %mul3A_591 : vector<16xf32>
      %get3A_593 = arith.constant 6 : i32
      %get3A_594 = arith.index_cast %get3A_593 : i32 to index
      %get3A_595 = arith.constant 64 : index
      %get3A_596 = tpu.vector_load %arg8[%get3A_594, %get3A_595] {strides = array<i32>} : memref<12x128xf32, #tpu.memory_space<vmem>>, vector<1x16xf32>,
      %get3A_597 = vector.shape_cast %get3A_596 : vector<1x16xf32> to vector<16xf32>
      %get3A_598 = arith.constant 832 : index
      %get3A_599 = tpu.vector_load %arg7[%get3A_598] {strides = array<i32>} : memref<1536xf32, #tpu.memory_space<vmem>>, vector<16xf32>,
      %get3A_600 = vector.shape_cast %get3A_599 : vector<16xf32> to vector<16xf32>
      %mul3A_601 = arith.mulf %get3A_597, %get3A_600 : vector<16xf32>
      %add3A_602 = arith.addf %add3A_592, %mul3A_601 : vector<16xf32>
      %get3A_603 = arith.constant 6 : i32
      %get3A_604 = arith.index_cast %get3A_603 : i32 to index
      %get3A_605 = arith.constant 80 : index
      %get3A_606 = tpu.vector_load %arg8[%get3A_604, %get3A_605] {strides = array<i32>} : memref<12x128xf32, #tpu.memory_space<vmem>>, vector<1x16xf32>,
      %get3A_607 = vector.shape_cast %get3A_606 : vector<1x16xf32> to vector<16xf32>
      %get3A_608 = arith.constant 848 : index
      %get3A_609 = tpu.vector_load %arg7[%get3A_608] {strides = array<i32>} : memref<1536xf32, #tpu.memory_space<vmem>>, vector<16xf32>,
      %get3A_610 = vector.shape_cast %get3A_609 : vector<16xf32> to vector<16xf32>
      %mul3A_611 = arith.mulf %get3A_607, %get3A_610 : vector<16xf32>
      %add3A_612 = arith.addf %add3A_602, %mul3A_611 : vector<16xf32>
      %get3A_613 = arith.constant 6 : i32
      %get3A_614 = arith.index_cast %get3A_613 : i32 to index
      %get3A_615 = arith.constant 96 : index
      %get3A_616 = tpu.vector_load %arg8[%get3A_614, %get3A_615] {strides = array<i32>} : memref<12x128xf32, #tpu.memory_space<vmem>>, vector<1x16xf32>,
      %get3A_617 = vector.shape_cast %get3A_616 : vector<1x16xf32> to vector<16xf32>
      %get3A_618 = arith.constant 864 : index
      %get3A_619 = tpu.vector_load %arg7[%get3A_618] {strides = array<i32>} : memref<1536xf32, #tpu.memory_space<vmem>>, vector<16xf32>,
      %get3A_620 = vector.shape_cast %get3A_619 : vector<16xf32> to vector<16xf32>
      %mul3A_621 = arith.mulf %get3A_617, %get3A_620 : vector<16xf32>
      %add3A_622 = arith.addf %add3A_612, %mul3A_621 : vector<16xf32>
      %get3A_623 = arith.constant 6 : i32
      %get3A_624 = arith.index_cast %get3A_623 : i32 to index
      %get3A_625 = arith.constant 112 : index
      %get3A_626 = tpu.vector_load %arg8[%get3A_624, %get3A_625] {strides = array<i32>} : memref<12x128xf32, #tpu.memory_space<vmem>>, vector<1x16xf32>,
      %get3A_627 = vector.shape_cast %get3A_626 : vector<1x16xf32> to vector<16xf32>
      %get3A_628 = arith.constant 880 : index
      %get3A_629 = tpu.vector_load %arg7[%get3A_628] {strides = array<i32>} : memref<1536xf32, #tpu.memory_space<vmem>>, vector<16xf32>,
      %get3A_630 = vector.shape_cast %get3A_629 : vector<16xf32> to vector<16xf32>
      %mul3A_631 = arith.mulf %get3A_627, %get3A_630 : vector<16xf32>
      %add3A_632 = arith.addf %add3A_622, %mul3A_631 : vector<16xf32>
      %dma_wait3A_633 = arith.constant 7 : i32
      %dma_wait3A_634 = arith.constant 0 : i32
      %dma_wait3A_635 = tpu.memref_slice %arg8[%dma_wait3A_633, %dma_wait3A_634] : memref<12x128xf32, #tpu.memory_space<vmem>> -> memref<1x128xf32, #tpu.memory_space<vmem>>
      %dma_wait3A_636 = tpu.memref_squeeze %dma_wait3A_635 : memref<1x128xf32, #tpu.memory_space<vmem>> -> memref<128xf32, #tpu.memory_space<vmem>>
      %dma_wait3A_637 = arith.constant 0 : i32
      %dma_wait3A_638 = tpu.memref_slice %arg6[%dma_wait3A_637] : memref<1536xi32, #tpu.memory_space<vmem>> -> memref<128xi32, #tpu.memory_space<vmem>>
      %dma_wait3A_639 = arith.constant 0 : i32
      %dma_wait3A_640 = tpu.memref_slice %arg2[%dma_wait3A_639] : memref<22912000xf32, #tpu.memory_space<hbm>> -> memref<22912000xf32, #tpu.memory_space<hbm>>
      tpu.wait_indirect_dma semaphore(%arg10 : memref<!tpu.dma_semaphore, #tpu.memory_space<semaphore_mem>>) src(%dma_wait3A_640 : memref<22912000xf32, #tpu.memory_space<hbm>>) dst(%dma_wait3A_636 : memref<128xf32, #tpu.memory_space<vmem>>)
      %get3A_641 = arith.constant 7 : i32
      %get3A_642 = arith.index_cast %get3A_641 : i32 to index
      %get3A_643 = arith.constant 0 : index
      %get3A_644 = tpu.vector_load %arg8[%get3A_642, %get3A_643] {strides = array<i32>} : memref<12x128xf32, #tpu.memory_space<vmem>>, vector<1x16xf32>,
      %get3A_645 = vector.shape_cast %get3A_644 : vector<1x16xf32> to vector<16xf32>
      %get3A_646 = arith.constant 896 : index
      %get3A_647 = tpu.vector_load %arg7[%get3A_646] {strides = array<i32>} : memref<1536xf32, #tpu.memory_space<vmem>>, vector<16xf32>,
      %get3A_648 = vector.shape_cast %get3A_647 : vector<16xf32> to vector<16xf32>
      %mul3A_649 = arith.mulf %get3A_645, %get3A_648 : vector<16xf32>
      %add3A_650 = arith.addf %add3A_632, %mul3A_649 : vector<16xf32>
      %get3A_651 = arith.constant 7 : i32
      %get3A_652 = arith.index_cast %get3A_651 : i32 to index
      %get3A_653 = arith.constant 16 : index
      %get3A_654 = tpu.vector_load %arg8[%get3A_652, %get3A_653] {strides = array<i32>} : memref<12x128xf32, #tpu.memory_space<vmem>>, vector<1x16xf32>,
      %get3A_655 = vector.shape_cast %get3A_654 : vector<1x16xf32> to vector<16xf32>
      %get3A_656 = arith.constant 912 : index
      %get3A_657 = tpu.vector_load %arg7[%get3A_656] {strides = array<i32>} : memref<1536xf32, #tpu.memory_space<vmem>>, vector<16xf32>,
      %get3A_658 = vector.shape_cast %get3A_657 : vector<16xf32> to vector<16xf32>
      %mul3A_659 = arith.mulf %get3A_655, %get3A_658 : vector<16xf32>
      %add3A_660 = arith.addf %add3A_650, %mul3A_659 : vector<16xf32>
      %get3A_661 = arith.constant 7 : i32
      %get3A_662 = arith.index_cast %get3A_661 : i32 to index
      %get3A_663 = arith.constant 32 : index
      %get3A_664 = tpu.vector_load %arg8[%get3A_662, %get3A_663] {strides = array<i32>} : memref<12x128xf32, #tpu.memory_space<vmem>>, vector<1x16xf32>,
      %get3A_665 = vector.shape_cast %get3A_664 : vector<1x16xf32> to vector<16xf32>
      %get3A_666 = arith.constant 928 : index
      %get3A_667 = tpu.vector_load %arg7[%get3A_666] {strides = array<i32>} : memref<1536xf32, #tpu.memory_space<vmem>>, vector<16xf32>,
      %get3A_668 = vector.shape_cast %get3A_667 : vector<16xf32> to vector<16xf32>
      %mul3A_669 = arith.mulf %get3A_665, %get3A_668 : vector<16xf32>
      %add3A_670 = arith.addf %add3A_660, %mul3A_669 : vector<16xf32>
      %get3A_671 = arith.constant 7 : i32
      %get3A_672 = arith.index_cast %get3A_671 : i32 to index
      %get3A_673 = arith.constant 48 : index
      %get3A_674 = tpu.vector_load %arg8[%get3A_672, %get3A_673] {strides = array<i32>} : memref<12x128xf32, #tpu.memory_space<vmem>>, vector<1x16xf32>,
      %get3A_675 = vector.shape_cast %get3A_674 : vector<1x16xf32> to vector<16xf32>
      %get3A_676 = arith.constant 944 : index
      %get3A_677 = tpu.vector_load %arg7[%get3A_676] {strides = array<i32>} : memref<1536xf32, #tpu.memory_space<vmem>>, vector<16xf32>,
      %get3A_678 = vector.shape_cast %get3A_677 : vector<16xf32> to vector<16xf32>
      %mul3A_679 = arith.mulf %get3A_675, %get3A_678 : vector<16xf32>
      %add3A_680 = arith.addf %add3A_670, %mul3A_679 : vector<16xf32>
      %get3A_681 = arith.constant 7 : i32
      %get3A_682 = arith.index_cast %get3A_681 : i32 to index
      %get3A_683 = arith.constant 64 : index
      %get3A_684 = tpu.vector_load %arg8[%get3A_682, %get3A_683] {strides = array<i32>} : memref<12x128xf32, #tpu.memory_space<vmem>>, vector<1x16xf32>,
      %get3A_685 = vector.shape_cast %get3A_684 : vector<1x16xf32> to vector<16xf32>
      %get3A_686 = arith.constant 960 : index
      %get3A_687 = tpu.vector_load %arg7[%get3A_686] {strides = array<i32>} : memref<1536xf32, #tpu.memory_space<vmem>>, vector<16xf32>,
      %get3A_688 = vector.shape_cast %get3A_687 : vector<16xf32> to vector<16xf32>
      %mul3A_689 = arith.mulf %get3A_685, %get3A_688 : vector<16xf32>
      %add3A_690 = arith.addf %add3A_680, %mul3A_689 : vector<16xf32>
      %get3A_691 = arith.constant 7 : i32
      %get3A_692 = arith.index_cast %get3A_691 : i32 to index
      %get3A_693 = arith.constant 80 : index
      %get3A_694 = tpu.vector_load %arg8[%get3A_692, %get3A_693] {strides = array<i32>} : memref<12x128xf32, #tpu.memory_space<vmem>>, vector<1x16xf32>,
      %get3A_695 = vector.shape_cast %get3A_694 : vector<1x16xf32> to vector<16xf32>
      %get3A_696 = arith.constant 976 : index
      %get3A_697 = tpu.vector_load %arg7[%get3A_696] {strides = array<i32>} : memref<1536xf32, #tpu.memory_space<vmem>>, vector<16xf32>,
      %get3A_698 = vector.shape_cast %get3A_697 : vector<16xf32> to vector<16xf32>
      %mul3A_699 = arith.mulf %get3A_695, %get3A_698 : vector<16xf32>
      %add3A_700 = arith.addf %add3A_690, %mul3A_699 : vector<16xf32>
      %get3A_701 = arith.constant 7 : i32
      %get3A_702 = arith.index_cast %get3A_701 : i32 to index
      %get3A_703 = arith.constant 96 : index
      %get3A_704 = tpu.vector_load %arg8[%get3A_702, %get3A_703] {strides = array<i32>} : memref<12x128xf32, #tpu.memory_space<vmem>>, vector<1x16xf32>,
      %get3A_705 = vector.shape_cast %get3A_704 : vector<1x16xf32> to vector<16xf32>
      %get3A_706 = arith.constant 992 : index
      %get3A_707 = tpu.vector_load %arg7[%get3A_706] {strides = array<i32>} : memref<1536xf32, #tpu.memory_space<vmem>>, vector<16xf32>,
      %get3A_708 = vector.shape_cast %get3A_707 : vector<16xf32> to vector<16xf32>
      %mul3A_709 = arith.mulf %get3A_705, %get3A_708 : vector<16xf32>
      %add3A_710 = arith.addf %add3A_700, %mul3A_709 : vector<16xf32>
      %get3A_711 = arith.constant 7 : i32
      %get3A_712 = arith.index_cast %get3A_711 : i32 to index
      %get3A_713 = arith.constant 112 : index
      %get3A_714 = tpu.vector_load %arg8[%get3A_712, %get3A_713] {strides = array<i32>} : memref<12x128xf32, #tpu.memory_space<vmem>>, vector<1x16xf32>,
      %get3A_715 = vector.shape_cast %get3A_714 : vector<1x16xf32> to vector<16xf32>
      %get3A_716 = arith.constant 1008 : index
      %get3A_717 = tpu.vector_load %arg7[%get3A_716] {strides = array<i32>} : memref<1536xf32, #tpu.memory_space<vmem>>, vector<16xf32>,
      %get3A_718 = vector.shape_cast %get3A_717 : vector<16xf32> to vector<16xf32>
      %mul3A_719 = arith.mulf %get3A_715, %get3A_718 : vector<16xf32>
      %add3A_720 = arith.addf %add3A_710, %mul3A_719 : vector<16xf32>
      %dma_wait3A_721 = arith.constant 8 : i32
      %dma_wait3A_722 = arith.constant 0 : i32
      %dma_wait3A_723 = tpu.memref_slice %arg8[%dma_wait3A_721, %dma_wait3A_722] : memref<12x128xf32, #tpu.memory_space<vmem>> -> memref<1x128xf32, #tpu.memory_space<vmem>>
      %dma_wait3A_724 = tpu.memref_squeeze %dma_wait3A_723 : memref<1x128xf32, #tpu.memory_space<vmem>> -> memref<128xf32, #tpu.memory_space<vmem>>
      %dma_wait3A_725 = arith.constant 0 : i32
      %dma_wait3A_726 = tpu.memref_slice %arg6[%dma_wait3A_725] : memref<1536xi32, #tpu.memory_space<vmem>> -> memref<128xi32, #tpu.memory_space<vmem>>
      %dma_wait3A_727 = arith.constant 0 : i32
      %dma_wait3A_728 = tpu.memref_slice %arg2[%dma_wait3A_727] : memref<22912000xf32, #tpu.memory_space<hbm>> -> memref<22912000xf32, #tpu.memory_space<hbm>>
      tpu.wait_indirect_dma semaphore(%arg10 : memref<!tpu.dma_semaphore, #tpu.memory_space<semaphore_mem>>) src(%dma_wait3A_728 : memref<22912000xf32, #tpu.memory_space<hbm>>) dst(%dma_wait3A_724 : memref<128xf32, #tpu.memory_space<vmem>>)
      %get3A_729 = arith.constant 8 : i32
      %get3A_730 = arith.index_cast %get3A_729 : i32 to index
      %get3A_731 = arith.constant 0 : index
      %get3A_732 = tpu.vector_load %arg8[%get3A_730, %get3A_731] {strides = array<i32>} : memref<12x128xf32, #tpu.memory_space<vmem>>, vector<1x16xf32>,
      %get3A_733 = vector.shape_cast %get3A_732 : vector<1x16xf32> to vector<16xf32>
      %get3A_734 = arith.constant 1024 : index
      %get3A_735 = tpu.vector_load %arg7[%get3A_734] {strides = array<i32>} : memref<1536xf32, #tpu.memory_space<vmem>>, vector<16xf32>,
      %get3A_736 = vector.shape_cast %get3A_735 : vector<16xf32> to vector<16xf32>
      %mul3A_737 = arith.mulf %get3A_733, %get3A_736 : vector<16xf32>
      %add3A_738 = arith.addf %add3A_720, %mul3A_737 : vector<16xf32>
      %get3A_739 = arith.constant 8 : i32
      %get3A_740 = arith.index_cast %get3A_739 : i32 to index
      %get3A_741 = arith.constant 16 : index
      %get3A_742 = tpu.vector_load %arg8[%get3A_740, %get3A_741] {strides = array<i32>} : memref<12x128xf32, #tpu.memory_space<vmem>>, vector<1x16xf32>,
      %get3A_743 = vector.shape_cast %get3A_742 : vector<1x16xf32> to vector<16xf32>
      %get3A_744 = arith.constant 1040 : index
      %get3A_745 = tpu.vector_load %arg7[%get3A_744] {strides = array<i32>} : memref<1536xf32, #tpu.memory_space<vmem>>, vector<16xf32>,
      %get3A_746 = vector.shape_cast %get3A_745 : vector<16xf32> to vector<16xf32>
      %mul3A_747 = arith.mulf %get3A_743, %get3A_746 : vector<16xf32>
      %add3A_748 = arith.addf %add3A_738, %mul3A_747 : vector<16xf32>
      %get3A_749 = arith.constant 8 : i32
      %get3A_750 = arith.index_cast %get3A_749 : i32 to index
      %get3A_751 = arith.constant 32 : index
      %get3A_752 = tpu.vector_load %arg8[%get3A_750, %get3A_751] {strides = array<i32>} : memref<12x128xf32, #tpu.memory_space<vmem>>, vector<1x16xf32>,
      %get3A_753 = vector.shape_cast %get3A_752 : vector<1x16xf32> to vector<16xf32>
      %get3A_754 = arith.constant 1056 : index
      %get3A_755 = tpu.vector_load %arg7[%get3A_754] {strides = array<i32>} : memref<1536xf32, #tpu.memory_space<vmem>>, vector<16xf32>,
      %get3A_756 = vector.shape_cast %get3A_755 : vector<16xf32> to vector<16xf32>
      %mul3A_757 = arith.mulf %get3A_753, %get3A_756 : vector<16xf32>
      %add3A_758 = arith.addf %add3A_748, %mul3A_757 : vector<16xf32>
      %get3A_759 = arith.constant 8 : i32
      %get3A_760 = arith.index_cast %get3A_759 : i32 to index
      %get3A_761 = arith.constant 48 : index
      %get3A_762 = tpu.vector_load %arg8[%get3A_760, %get3A_761] {strides = array<i32>} : memref<12x128xf32, #tpu.memory_space<vmem>>, vector<1x16xf32>,
      %get3A_763 = vector.shape_cast %get3A_762 : vector<1x16xf32> to vector<16xf32>
      %get3A_764 = arith.constant 1072 : index
      %get3A_765 = tpu.vector_load %arg7[%get3A_764] {strides = array<i32>} : memref<1536xf32, #tpu.memory_space<vmem>>, vector<16xf32>,
      %get3A_766 = vector.shape_cast %get3A_765 : vector<16xf32> to vector<16xf32>
      %mul3A_767 = arith.mulf %get3A_763, %get3A_766 : vector<16xf32>
      %add3A_768 = arith.addf %add3A_758, %mul3A_767 : vector<16xf32>
      %get3A_769 = arith.constant 8 : i32
      %get3A_770 = arith.index_cast %get3A_769 : i32 to index
      %get3A_771 = arith.constant 64 : index
      %get3A_772 = tpu.vector_load %arg8[%get3A_770, %get3A_771] {strides = array<i32>} : memref<12x128xf32, #tpu.memory_space<vmem>>, vector<1x16xf32>,
      %get3A_773 = vector.shape_cast %get3A_772 : vector<1x16xf32> to vector<16xf32>
      %get3A_774 = arith.constant 1088 : index
      %get3A_775 = tpu.vector_load %arg7[%get3A_774] {strides = array<i32>} : memref<1536xf32, #tpu.memory_space<vmem>>, vector<16xf32>,
      %get3A_776 = vector.shape_cast %get3A_775 : vector<16xf32> to vector<16xf32>
      %mul3A_777 = arith.mulf %get3A_773, %get3A_776 : vector<16xf32>
      %add3A_778 = arith.addf %add3A_768, %mul3A_777 : vector<16xf32>
      %get3A_779 = arith.constant 8 : i32
      %get3A_780 = arith.index_cast %get3A_779 : i32 to index
      %get3A_781 = arith.constant 80 : index
      %get3A_782 = tpu.vector_load %arg8[%get3A_780, %get3A_781] {strides = array<i32>} : memref<12x128xf32, #tpu.memory_space<vmem>>, vector<1x16xf32>,
      %get3A_783 = vector.shape_cast %get3A_782 : vector<1x16xf32> to vector<16xf32>
      %get3A_784 = arith.constant 1104 : index
      %get3A_785 = tpu.vector_load %arg7[%get3A_784] {strides = array<i32>} : memref<1536xf32, #tpu.memory_space<vmem>>, vector<16xf32>,
      %get3A_786 = vector.shape_cast %get3A_785 : vector<16xf32> to vector<16xf32>
      %mul3A_787 = arith.mulf %get3A_783, %get3A_786 : vector<16xf32>
      %add3A_788 = arith.addf %add3A_778, %mul3A_787 : vector<16xf32>
      %get3A_789 = arith.constant 8 : i32
      %get3A_790 = arith.index_cast %get3A_789 : i32 to index
      %get3A_791 = arith.constant 96 : index
      %get3A_792 = tpu.vector_load %arg8[%get3A_790, %get3A_791] {strides = array<i32>} : memref<12x128xf32, #tpu.memory_space<vmem>>, vector<1x16xf32>,
      %get3A_793 = vector.shape_cast %get3A_792 : vector<1x16xf32> to vector<16xf32>
      %get3A_794 = arith.constant 1120 : index
      %get3A_795 = tpu.vector_load %arg7[%get3A_794] {strides = array<i32>} : memref<1536xf32, #tpu.memory_space<vmem>>, vector<16xf32>,
      %get3A_796 = vector.shape_cast %get3A_795 : vector<16xf32> to vector<16xf32>
      %mul3A_797 = arith.mulf %get3A_793, %get3A_796 : vector<16xf32>
      %add3A_798 = arith.addf %add3A_788, %mul3A_797 : vector<16xf32>
      %get3A_799 = arith.constant 8 : i32
      %get3A_800 = arith.index_cast %get3A_799 : i32 to index
      %get3A_801 = arith.constant 112 : index
      %get3A_802 = tpu.vector_load %arg8[%get3A_800, %get3A_801] {strides = array<i32>} : memref<12x128xf32, #tpu.memory_space<vmem>>, vector<1x16xf32>,
      %get3A_803 = vector.shape_cast %get3A_802 : vector<1x16xf32> to vector<16xf32>
      %get3A_804 = arith.constant 1136 : index
      %get3A_805 = tpu.vector_load %arg7[%get3A_804] {strides = array<i32>} : memref<1536xf32, #tpu.memory_space<vmem>>, vector<16xf32>,
      %get3A_806 = vector.shape_cast %get3A_805 : vector<16xf32> to vector<16xf32>
      %mul3A_807 = arith.mulf %get3A_803, %get3A_806 : vector<16xf32>
      %add3A_808 = arith.addf %add3A_798, %mul3A_807 : vector<16xf32>
      %dma_wait3A_809 = arith.constant 9 : i32
      %dma_wait3A_810 = arith.constant 0 : i32
      %dma_wait3A_811 = tpu.memref_slice %arg8[%dma_wait3A_809, %dma_wait3A_810] : memref<12x128xf32, #tpu.memory_space<vmem>> -> memref<1x128xf32, #tpu.memory_space<vmem>>
      %dma_wait3A_812 = tpu.memref_squeeze %dma_wait3A_811 : memref<1x128xf32, #tpu.memory_space<vmem>> -> memref<128xf32, #tpu.memory_space<vmem>>
      %dma_wait3A_813 = arith.constant 0 : i32
      %dma_wait3A_814 = tpu.memref_slice %arg6[%dma_wait3A_813] : memref<1536xi32, #tpu.memory_space<vmem>> -> memref<128xi32, #tpu.memory_space<vmem>>
      %dma_wait3A_815 = arith.constant 0 : i32
      %dma_wait3A_816 = tpu.memref_slice %arg2[%dma_wait3A_815] : memref<22912000xf32, #tpu.memory_space<hbm>> -> memref<22912000xf32, #tpu.memory_space<hbm>>
      tpu.wait_indirect_dma semaphore(%arg10 : memref<!tpu.dma_semaphore, #tpu.memory_space<semaphore_mem>>) src(%dma_wait3A_816 : memref<22912000xf32, #tpu.memory_space<hbm>>) dst(%dma_wait3A_812 : memref<128xf32, #tpu.memory_space<vmem>>)
      %get3A_817 = arith.constant 9 : i32
      %get3A_818 = arith.index_cast %get3A_817 : i32 to index
      %get3A_819 = arith.constant 0 : index
      %get3A_820 = tpu.vector_load %arg8[%get3A_818, %get3A_819] {strides = array<i32>} : memref<12x128xf32, #tpu.memory_space<vmem>>, vector<1x16xf32>,
      %get3A_821 = vector.shape_cast %get3A_820 : vector<1x16xf32> to vector<16xf32>
      %get3A_822 = arith.constant 1152 : index
      %get3A_823 = tpu.vector_load %arg7[%get3A_822] {strides = array<i32>} : memref<1536xf32, #tpu.memory_space<vmem>>, vector<16xf32>,
      %get3A_824 = vector.shape_cast %get3A_823 : vector<16xf32> to vector<16xf32>
      %mul3A_825 = arith.mulf %get3A_821, %get3A_824 : vector<16xf32>
      %add3A_826 = arith.addf %add3A_808, %mul3A_825 : vector<16xf32>
      %get3A_827 = arith.constant 9 : i32
      %get3A_828 = arith.index_cast %get3A_827 : i32 to index
      %get3A_829 = arith.constant 16 : index
      %get3A_830 = tpu.vector_load %arg8[%get3A_828, %get3A_829] {strides = array<i32>} : memref<12x128xf32, #tpu.memory_space<vmem>>, vector<1x16xf32>,
      %get3A_831 = vector.shape_cast %get3A_830 : vector<1x16xf32> to vector<16xf32>
      %get3A_832 = arith.constant 1168 : index
      %get3A_833 = tpu.vector_load %arg7[%get3A_832] {strides = array<i32>} : memref<1536xf32, #tpu.memory_space<vmem>>, vector<16xf32>,
      %get3A_834 = vector.shape_cast %get3A_833 : vector<16xf32> to vector<16xf32>
      %mul3A_835 = arith.mulf %get3A_831, %get3A_834 : vector<16xf32>
      %add3A_836 = arith.addf %add3A_826, %mul3A_835 : vector<16xf32>
      %get3A_837 = arith.constant 9 : i32
      %get3A_838 = arith.index_cast %get3A_837 : i32 to index
      %get3A_839 = arith.constant 32 : index
      %get3A_840 = tpu.vector_load %arg8[%get3A_838, %get3A_839] {strides = array<i32>} : memref<12x128xf32, #tpu.memory_space<vmem>>, vector<1x16xf32>,
      %get3A_841 = vector.shape_cast %get3A_840 : vector<1x16xf32> to vector<16xf32>
      %get3A_842 = arith.constant 1184 : index
      %get3A_843 = tpu.vector_load %arg7[%get3A_842] {strides = array<i32>} : memref<1536xf32, #tpu.memory_space<vmem>>, vector<16xf32>,
      %get3A_844 = vector.shape_cast %get3A_843 : vector<16xf32> to vector<16xf32>
      %mul3A_845 = arith.mulf %get3A_841, %get3A_844 : vector<16xf32>
      %add3A_846 = arith.addf %add3A_836, %mul3A_845 : vector<16xf32>
      %get3A_847 = arith.constant 9 : i32
      %get3A_848 = arith.index_cast %get3A_847 : i32 to index
      %get3A_849 = arith.constant 48 : index
      %get3A_850 = tpu.vector_load %arg8[%get3A_848, %get3A_849] {strides = array<i32>} : memref<12x128xf32, #tpu.memory_space<vmem>>, vector<1x16xf32>,
      %get3A_851 = vector.shape_cast %get3A_850 : vector<1x16xf32> to vector<16xf32>
      %get3A_852 = arith.constant 1200 : index
      %get3A_853 = tpu.vector_load %arg7[%get3A_852] {strides = array<i32>} : memref<1536xf32, #tpu.memory_space<vmem>>, vector<16xf32>,
      %get3A_854 = vector.shape_cast %get3A_853 : vector<16xf32> to vector<16xf32>
      %mul3A_855 = arith.mulf %get3A_851, %get3A_854 : vector<16xf32>
      %add3A_856 = arith.addf %add3A_846, %mul3A_855 : vector<16xf32>
      %get3A_857 = arith.constant 9 : i32
      %get3A_858 = arith.index_cast %get3A_857 : i32 to index
      %get3A_859 = arith.constant 64 : index
      %get3A_860 = tpu.vector_load %arg8[%get3A_858, %get3A_859] {strides = array<i32>} : memref<12x128xf32, #tpu.memory_space<vmem>>, vector<1x16xf32>,
      %get3A_861 = vector.shape_cast %get3A_860 : vector<1x16xf32> to vector<16xf32>
      %get3A_862 = arith.constant 1216 : index
      %get3A_863 = tpu.vector_load %arg7[%get3A_862] {strides = array<i32>} : memref<1536xf32, #tpu.memory_space<vmem>>, vector<16xf32>,
      %get3A_864 = vector.shape_cast %get3A_863 : vector<16xf32> to vector<16xf32>
      %mul3A_865 = arith.mulf %get3A_861, %get3A_864 : vector<16xf32>
      %add3A_866 = arith.addf %add3A_856, %mul3A_865 : vector<16xf32>
      %get3A_867 = arith.constant 9 : i32
      %get3A_868 = arith.index_cast %get3A_867 : i32 to index
      %get3A_869 = arith.constant 80 : index
      %get3A_870 = tpu.vector_load %arg8[%get3A_868, %get3A_869] {strides = array<i32>} : memref<12x128xf32, #tpu.memory_space<vmem>>, vector<1x16xf32>,
      %get3A_871 = vector.shape_cast %get3A_870 : vector<1x16xf32> to vector<16xf32>
      %get3A_872 = arith.constant 1232 : index
      %get3A_873 = tpu.vector_load %arg7[%get3A_872] {strides = array<i32>} : memref<1536xf32, #tpu.memory_space<vmem>>, vector<16xf32>,
      %get3A_874 = vector.shape_cast %get3A_873 : vector<16xf32> to vector<16xf32>
      %mul3A_875 = arith.mulf %get3A_871, %get3A_874 : vector<16xf32>
      %add3A_876 = arith.addf %add3A_866, %mul3A_875 : vector<16xf32>
      %get3A_877 = arith.constant 9 : i32
      %get3A_878 = arith.index_cast %get3A_877 : i32 to index
      %get3A_879 = arith.constant 96 : index
      %get3A_880 = tpu.vector_load %arg8[%get3A_878, %get3A_879] {strides = array<i32>} : memref<12x128xf32, #tpu.memory_space<vmem>>, vector<1x16xf32>,
      %get3A_881 = vector.shape_cast %get3A_880 : vector<1x16xf32> to vector<16xf32>
      %get3A_882 = arith.constant 1248 : index
      %get3A_883 = tpu.vector_load %arg7[%get3A_882] {strides = array<i32>} : memref<1536xf32, #tpu.memory_space<vmem>>, vector<16xf32>,
      %get3A_884 = vector.shape_cast %get3A_883 : vector<16xf32> to vector<16xf32>
      %mul3A_885 = arith.mulf %get3A_881, %get3A_884 : vector<16xf32>
      %add3A_886 = arith.addf %add3A_876, %mul3A_885 : vector<16xf32>
      %get3A_887 = arith.constant 9 : i32
      %get3A_888 = arith.index_cast %get3A_887 : i32 to index
      %get3A_889 = arith.constant 112 : index
      %get3A_890 = tpu.vector_load %arg8[%get3A_888, %get3A_889] {strides = array<i32>} : memref<12x128xf32, #tpu.memory_space<vmem>>, vector<1x16xf32>,
      %get3A_891 = vector.shape_cast %get3A_890 : vector<1x16xf32> to vector<16xf32>
      %get3A_892 = arith.constant 1264 : index
      %get3A_893 = tpu.vector_load %arg7[%get3A_892] {strides = array<i32>} : memref<1536xf32, #tpu.memory_space<vmem>>, vector<16xf32>,
      %get3A_894 = vector.shape_cast %get3A_893 : vector<16xf32> to vector<16xf32>
      %mul3A_895 = arith.mulf %get3A_891, %get3A_894 : vector<16xf32>
      %add3A_896 = arith.addf %add3A_886, %mul3A_895 : vector<16xf32>
      %dma_wait3A_897 = arith.constant 10 : i32
      %dma_wait3A_898 = arith.constant 0 : i32
      %dma_wait3A_899 = tpu.memref_slice %arg8[%dma_wait3A_897, %dma_wait3A_898] : memref<12x128xf32, #tpu.memory_space<vmem>> -> memref<1x128xf32, #tpu.memory_space<vmem>>
      %dma_wait3A_900 = tpu.memref_squeeze %dma_wait3A_899 : memref<1x128xf32, #tpu.memory_space<vmem>> -> memref<128xf32, #tpu.memory_space<vmem>>
      %dma_wait3A_901 = arith.constant 0 : i32
      %dma_wait3A_902 = tpu.memref_slice %arg6[%dma_wait3A_901] : memref<1536xi32, #tpu.memory_space<vmem>> -> memref<128xi32, #tpu.memory_space<vmem>>
      %dma_wait3A_903 = arith.constant 0 : i32
      %dma_wait3A_904 = tpu.memref_slice %arg2[%dma_wait3A_903] : memref<22912000xf32, #tpu.memory_space<hbm>> -> memref<22912000xf32, #tpu.memory_space<hbm>>
      tpu.wait_indirect_dma semaphore(%arg10 : memref<!tpu.dma_semaphore, #tpu.memory_space<semaphore_mem>>) src(%dma_wait3A_904 : memref<22912000xf32, #tpu.memory_space<hbm>>) dst(%dma_wait3A_900 : memref<128xf32, #tpu.memory_space<vmem>>)
      %get3A_905 = arith.constant 10 : i32
      %get3A_906 = arith.index_cast %get3A_905 : i32 to index
      %get3A_907 = arith.constant 0 : index
      %get3A_908 = tpu.vector_load %arg8[%get3A_906, %get3A_907] {strides = array<i32>} : memref<12x128xf32, #tpu.memory_space<vmem>>, vector<1x16xf32>,
      %get3A_909 = vector.shape_cast %get3A_908 : vector<1x16xf32> to vector<16xf32>
      %get3A_910 = arith.constant 1280 : index
      %get3A_911 = tpu.vector_load %arg7[%get3A_910] {strides = array<i32>} : memref<1536xf32, #tpu.memory_space<vmem>>, vector<16xf32>,
      %get3A_912 = vector.shape_cast %get3A_911 : vector<16xf32> to vector<16xf32>
      %mul3A_913 = arith.mulf %get3A_909, %get3A_912 : vector<16xf32>
      %add3A_914 = arith.addf %add3A_896, %mul3A_913 : vector<16xf32>
      %get3A_915 = arith.constant 10 : i32
      %get3A_916 = arith.index_cast %get3A_915 : i32 to index
      %get3A_917 = arith.constant 16 : index
      %get3A_918 = tpu.vector_load %arg8[%get3A_916, %get3A_917] {strides = array<i32>} : memref<12x128xf32, #tpu.memory_space<vmem>>, vector<1x16xf32>,
      %get3A_919 = vector.shape_cast %get3A_918 : vector<1x16xf32> to vector<16xf32>
      %get3A_920 = arith.constant 1296 : index
      %get3A_921 = tpu.vector_load %arg7[%get3A_920] {strides = array<i32>} : memref<1536xf32, #tpu.memory_space<vmem>>, vector<16xf32>,
      %get3A_922 = vector.shape_cast %get3A_921 : vector<16xf32> to vector<16xf32>
      %mul3A_923 = arith.mulf %get3A_919, %get3A_922 : vector<16xf32>
      %add3A_924 = arith.addf %add3A_914, %mul3A_923 : vector<16xf32>
      %get3A_925 = arith.constant 10 : i32
      %get3A_926 = arith.index_cast %get3A_925 : i32 to index
      %get3A_927 = arith.constant 32 : index
      %get3A_928 = tpu.vector_load %arg8[%get3A_926, %get3A_927] {strides = array<i32>} : memref<12x128xf32, #tpu.memory_space<vmem>>, vector<1x16xf32>,
      %get3A_929 = vector.shape_cast %get3A_928 : vector<1x16xf32> to vector<16xf32>
      %get3A_930 = arith.constant 1312 : index
      %get3A_931 = tpu.vector_load %arg7[%get3A_930] {strides = array<i32>} : memref<1536xf32, #tpu.memory_space<vmem>>, vector<16xf32>,
      %get3A_932 = vector.shape_cast %get3A_931 : vector<16xf32> to vector<16xf32>
      %mul3A_933 = arith.mulf %get3A_929, %get3A_932 : vector<16xf32>
      %add3A_934 = arith.addf %add3A_924, %mul3A_933 : vector<16xf32>
      %get3A_935 = arith.constant 10 : i32
      %get3A_936 = arith.index_cast %get3A_935 : i32 to index
      %get3A_937 = arith.constant 48 : index
      %get3A_938 = tpu.vector_load %arg8[%get3A_936, %get3A_937] {strides = array<i32>} : memref<12x128xf32, #tpu.memory_space<vmem>>, vector<1x16xf32>,
      %get3A_939 = vector.shape_cast %get3A_938 : vector<1x16xf32> to vector<16xf32>
      %get3A_940 = arith.constant 1328 : index
      %get3A_941 = tpu.vector_load %arg7[%get3A_940] {strides = array<i32>} : memref<1536xf32, #tpu.memory_space<vmem>>, vector<16xf32>,
      %get3A_942 = vector.shape_cast %get3A_941 : vector<16xf32> to vector<16xf32>
      %mul3A_943 = arith.mulf %get3A_939, %get3A_942 : vector<16xf32>
      %add3A_944 = arith.addf %add3A_934, %mul3A_943 : vector<16xf32>
      %get3A_945 = arith.constant 10 : i32
      %get3A_946 = arith.index_cast %get3A_945 : i32 to index
      %get3A_947 = arith.constant 64 : index
      %get3A_948 = tpu.vector_load %arg8[%get3A_946, %get3A_947] {strides = array<i32>} : memref<12x128xf32, #tpu.memory_space<vmem>>, vector<1x16xf32>,
      %get3A_949 = vector.shape_cast %get3A_948 : vector<1x16xf32> to vector<16xf32>
      %get3A_950 = arith.constant 1344 : index
      %get3A_951 = tpu.vector_load %arg7[%get3A_950] {strides = array<i32>} : memref<1536xf32, #tpu.memory_space<vmem>>, vector<16xf32>,
      %get3A_952 = vector.shape_cast %get3A_951 : vector<16xf32> to vector<16xf32>
      %mul3A_953 = arith.mulf %get3A_949, %get3A_952 : vector<16xf32>
      %add3A_954 = arith.addf %add3A_944, %mul3A_953 : vector<16xf32>
      %get3A_955 = arith.constant 10 : i32
      %get3A_956 = arith.index_cast %get3A_955 : i32 to index
      %get3A_957 = arith.constant 80 : index
      %get3A_958 = tpu.vector_load %arg8[%get3A_956, %get3A_957] {strides = array<i32>} : memref<12x128xf32, #tpu.memory_space<vmem>>, vector<1x16xf32>,
      %get3A_959 = vector.shape_cast %get3A_958 : vector<1x16xf32> to vector<16xf32>
      %get3A_960 = arith.constant 1360 : index
      %get3A_961 = tpu.vector_load %arg7[%get3A_960] {strides = array<i32>} : memref<1536xf32, #tpu.memory_space<vmem>>, vector<16xf32>,
      %get3A_962 = vector.shape_cast %get3A_961 : vector<16xf32> to vector<16xf32>
      %mul3A_963 = arith.mulf %get3A_959, %get3A_962 : vector<16xf32>
      %add3A_964 = arith.addf %add3A_954, %mul3A_963 : vector<16xf32>
      %get3A_965 = arith.constant 10 : i32
      %get3A_966 = arith.index_cast %get3A_965 : i32 to index
      %get3A_967 = arith.constant 96 : index
      %get3A_968 = tpu.vector_load %arg8[%get3A_966, %get3A_967] {strides = array<i32>} : memref<12x128xf32, #tpu.memory_space<vmem>>, vector<1x16xf32>,
      %get3A_969 = vector.shape_cast %get3A_968 : vector<1x16xf32> to vector<16xf32>
      %get3A_970 = arith.constant 1376 : index
      %get3A_971 = tpu.vector_load %arg7[%get3A_970] {strides = array<i32>} : memref<1536xf32, #tpu.memory_space<vmem>>, vector<16xf32>,
      %get3A_972 = vector.shape_cast %get3A_971 : vector<16xf32> to vector<16xf32>
      %mul3A_973 = arith.mulf %get3A_969, %get3A_972 : vector<16xf32>
      %add3A_974 = arith.addf %add3A_964, %mul3A_973 : vector<16xf32>
      %get3A_975 = arith.constant 10 : i32
      %get3A_976 = arith.index_cast %get3A_975 : i32 to index
      %get3A_977 = arith.constant 112 : index
      %get3A_978 = tpu.vector_load %arg8[%get3A_976, %get3A_977] {strides = array<i32>} : memref<12x128xf32, #tpu.memory_space<vmem>>, vector<1x16xf32>,
      %get3A_979 = vector.shape_cast %get3A_978 : vector<1x16xf32> to vector<16xf32>
      %get3A_980 = arith.constant 1392 : index
      %get3A_981 = tpu.vector_load %arg7[%get3A_980] {strides = array<i32>} : memref<1536xf32, #tpu.memory_space<vmem>>, vector<16xf32>,
      %get3A_982 = vector.shape_cast %get3A_981 : vector<16xf32> to vector<16xf32>
      %mul3A_983 = arith.mulf %get3A_979, %get3A_982 : vector<16xf32>
      %add3A_984 = arith.addf %add3A_974, %mul3A_983 : vector<16xf32>
      %dma_wait3A_985 = arith.constant 11 : i32
      %dma_wait3A_986 = arith.constant 0 : i32
      %dma_wait3A_987 = tpu.memref_slice %arg8[%dma_wait3A_985, %dma_wait3A_986] : memref<12x128xf32, #tpu.memory_space<vmem>> -> memref<1x128xf32, #tpu.memory_space<vmem>>
      %dma_wait3A_988 = tpu.memref_squeeze %dma_wait3A_987 : memref<1x128xf32, #tpu.memory_space<vmem>> -> memref<128xf32, #tpu.memory_space<vmem>>
      %dma_wait3A_989 = arith.constant 0 : i32
      %dma_wait3A_990 = tpu.memref_slice %arg6[%dma_wait3A_989] : memref<1536xi32, #tpu.memory_space<vmem>> -> memref<128xi32, #tpu.memory_space<vmem>>
      %dma_wait3A_991 = arith.constant 0 : i32
      %dma_wait3A_992 = tpu.memref_slice %arg2[%dma_wait3A_991] : memref<22912000xf32, #tpu.memory_space<hbm>> -> memref<22912000xf32, #tpu.memory_space<hbm>>
      tpu.wait_indirect_dma semaphore(%arg10 : memref<!tpu.dma_semaphore, #tpu.memory_space<semaphore_mem>>) src(%dma_wait3A_992 : memref<22912000xf32, #tpu.memory_space<hbm>>) dst(%dma_wait3A_988 : memref<128xf32, #tpu.memory_space<vmem>>)
      %get3A_993 = arith.constant 11 : i32
      %get3A_994 = arith.index_cast %get3A_993 : i32 to index
      %get3A_995 = arith.constant 0 : index
      %get3A_996 = tpu.vector_load %arg8[%get3A_994, %get3A_995] {strides = array<i32>} : memref<12x128xf32, #tpu.memory_space<vmem>>, vector<1x16xf32>,
      %get3A_997 = vector.shape_cast %get3A_996 : vector<1x16xf32> to vector<16xf32>
      %get3A_998 = arith.constant 1408 : index
      %get3A_999 = tpu.vector_load %arg7[%get3A_998] {strides = array<i32>} : memref<1536xf32, #tpu.memory_space<vmem>>, vector<16xf32>,
      %get3A_1000 = vector.shape_cast %get3A_999 : vector<16xf32> to vector<16xf32>
      %mul3A_1001 = arith.mulf %get3A_997, %get3A_1000 : vector<16xf32>
      %add3A_1002 = arith.addf %add3A_984, %mul3A_1001 : vector<16xf32>
      %get3A_1003 = arith.constant 11 : i32
      %get3A_1004 = arith.index_cast %get3A_1003 : i32 to index
      %get3A_1005 = arith.constant 16 : index
      %get3A_1006 = tpu.vector_load %arg8[%get3A_1004, %get3A_1005] {strides = array<i32>} : memref<12x128xf32, #tpu.memory_space<vmem>>, vector<1x16xf32>,
      %get3A_1007 = vector.shape_cast %get3A_1006 : vector<1x16xf32> to vector<16xf32>
      %get3A_1008 = arith.constant 1424 : index
      %get3A_1009 = tpu.vector_load %arg7[%get3A_1008] {strides = array<i32>} : memref<1536xf32, #tpu.memory_space<vmem>>, vector<16xf32>,
      %get3A_1010 = vector.shape_cast %get3A_1009 : vector<16xf32> to vector<16xf32>
      %mul3A_1011 = arith.mulf %get3A_1007, %get3A_1010 : vector<16xf32>
      %add3A_1012 = arith.addf %add3A_1002, %mul3A_1011 : vector<16xf32>
      %get3A_1013 = arith.constant 11 : i32
      %get3A_1014 = arith.index_cast %get3A_1013 : i32 to index
      %get3A_1015 = arith.constant 32 : index
      %get3A_1016 = tpu.vector_load %arg8[%get3A_1014, %get3A_1015] {strides = array<i32>} : memref<12x128xf32, #tpu.memory_space<vmem>>, vector<1x16xf32>,
      %get3A_1017 = vector.shape_cast %get3A_1016 : vector<1x16xf32> to vector<16xf32>
      %get3A_1018 = arith.constant 1440 : index
      %get3A_1019 = tpu.vector_load %arg7[%get3A_1018] {strides = array<i32>} : memref<1536xf32, #tpu.memory_space<vmem>>, vector<16xf32>,
      %get3A_1020 = vector.shape_cast %get3A_1019 : vector<16xf32> to vector<16xf32>
      %mul3A_1021 = arith.mulf %get3A_1017, %get3A_1020 : vector<16xf32>
      %add3A_1022 = arith.addf %add3A_1012, %mul3A_1021 : vector<16xf32>
      %get3A_1023 = arith.constant 11 : i32
      %get3A_1024 = arith.index_cast %get3A_1023 : i32 to index
      %get3A_1025 = arith.constant 48 : index
      %get3A_1026 = tpu.vector_load %arg8[%get3A_1024, %get3A_1025] {strides = array<i32>} : memref<12x128xf32, #tpu.memory_space<vmem>>, vector<1x16xf32>,
      %get3A_1027 = vector.shape_cast %get3A_1026 : vector<1x16xf32> to vector<16xf32>
      %get3A_1028 = arith.constant 1456 : index
      %get3A_1029 = tpu.vector_load %arg7[%get3A_1028] {strides = array<i32>} : memref<1536xf32, #tpu.memory_space<vmem>>, vector<16xf32>,
      %get3A_1030 = vector.shape_cast %get3A_1029 : vector<16xf32> to vector<16xf32>
      %mul3A_1031 = arith.mulf %get3A_1027, %get3A_1030 : vector<16xf32>
      %add3A_1032 = arith.addf %add3A_1022, %mul3A_1031 : vector<16xf32>
      %get3A_1033 = arith.constant 11 : i32
      %get3A_1034 = arith.index_cast %get3A_1033 : i32 to index
      %get3A_1035 = arith.constant 64 : index
      %get3A_1036 = tpu.vector_load %arg8[%get3A_1034, %get3A_1035] {strides = array<i32>} : memref<12x128xf32, #tpu.memory_space<vmem>>, vector<1x16xf32>,
      %get3A_1037 = vector.shape_cast %get3A_1036 : vector<1x16xf32> to vector<16xf32>
      %get3A_1038 = arith.constant 1472 : index
      %get3A_1039 = tpu.vector_load %arg7[%get3A_1038] {strides = array<i32>} : memref<1536xf32, #tpu.memory_space<vmem>>, vector<16xf32>,
      %get3A_1040 = vector.shape_cast %get3A_1039 : vector<16xf32> to vector<16xf32>
      %mul3A_1041 = arith.mulf %get3A_1037, %get3A_1040 : vector<16xf32>
      %add3A_1042 = arith.addf %add3A_1032, %mul3A_1041 : vector<16xf32>
      %get3A_1043 = arith.constant 11 : i32
      %get3A_1044 = arith.index_cast %get3A_1043 : i32 to index
      %get3A_1045 = arith.constant 80 : index
      %get3A_1046 = tpu.vector_load %arg8[%get3A_1044, %get3A_1045] {strides = array<i32>} : memref<12x128xf32, #tpu.memory_space<vmem>>, vector<1x16xf32>,
      %get3A_1047 = vector.shape_cast %get3A_1046 : vector<1x16xf32> to vector<16xf32>
      %get3A_1048 = arith.constant 1488 : index
      %get3A_1049 = tpu.vector_load %arg7[%get3A_1048] {strides = array<i32>} : memref<1536xf32, #tpu.memory_space<vmem>>, vector<16xf32>,
      %get3A_1050 = vector.shape_cast %get3A_1049 : vector<16xf32> to vector<16xf32>
      %mul3A_1051 = arith.mulf %get3A_1047, %get3A_1050 : vector<16xf32>
      %add3A_1052 = arith.addf %add3A_1042, %mul3A_1051 : vector<16xf32>
      %get3A_1053 = arith.constant 11 : i32
      %get3A_1054 = arith.index_cast %get3A_1053 : i32 to index
      %get3A_1055 = arith.constant 96 : index
      %get3A_1056 = tpu.vector_load %arg8[%get3A_1054, %get3A_1055] {strides = array<i32>} : memref<12x128xf32, #tpu.memory_space<vmem>>, vector<1x16xf32>,
      %get3A_1057 = vector.shape_cast %get3A_1056 : vector<1x16xf32> to vector<16xf32>
      %get3A_1058 = arith.constant 1504 : index
      %get3A_1059 = tpu.vector_load %arg7[%get3A_1058] {strides = array<i32>} : memref<1536xf32, #tpu.memory_space<vmem>>, vector<16xf32>,
      %get3A_1060 = vector.shape_cast %get3A_1059 : vector<16xf32> to vector<16xf32>
      %mul3A_1061 = arith.mulf %get3A_1057, %get3A_1060 : vector<16xf32>
      %add3A_1062 = arith.addf %add3A_1052, %mul3A_1061 : vector<16xf32>
      %get3A_1063 = arith.constant 11 : i32
      %get3A_1064 = arith.index_cast %get3A_1063 : i32 to index
      %get3A_1065 = arith.constant 112 : index
      %get3A_1066 = tpu.vector_load %arg8[%get3A_1064, %get3A_1065] {strides = array<i32>} : memref<12x128xf32, #tpu.memory_space<vmem>>, vector<1x16xf32>,
      %get3A_1067 = vector.shape_cast %get3A_1066 : vector<1x16xf32> to vector<16xf32>
      %get3A_1068 = arith.constant 1520 : index
      %get3A_1069 = tpu.vector_load %arg7[%get3A_1068] {strides = array<i32>} : memref<1536xf32, #tpu.memory_space<vmem>>, vector<16xf32>,
      %get3A_1070 = vector.shape_cast %get3A_1069 : vector<16xf32> to vector<16xf32>
      %mul3A_1071 = arith.mulf %get3A_1067, %get3A_1070 : vector<16xf32>
      %add3A_1072 = arith.addf %add3A_1062, %mul3A_1071 : vector<16xf32>
      %swap3A = arith.constant 0 : index
      %swap3A_1073 = tpu.vector_load %arg9[%swap3A] {strides = array<i32>} : memref<16xf32, #tpu.memory_space<vmem>>, vector<16xf32>,
      %swap3A_1074 = vector.shape_cast %swap3A_1073 : vector<16xf32> to vector<16xf32>
      %swap3A_1075 = vector.shape_cast %add3A_1072 : vector<16xf32> to vector<16xf32>
      tpu.vector_store %arg9[%swap3A], %swap3A_1075 {strides = array<i32>} : memref<16xf32, #tpu.memory_space<vmem>>, vector<16xf32>,
      "tpu.region"() ({
        %run_scoped3A = tpu.sem_alloc : memref<!tpu.dma_semaphore, #tpu.memory_space<semaphore_mem>>
        %dma_start3A = arith.constant 0 : i32
        %dma_start3A_1076 = tpu.memref_slice %arg5[%add3A, %dma_start3A] : memref<16x16xf32, #tpu.memory_space<hbm>> -> memref<1x16xf32, #tpu.memory_space<hbm>>
        %dma_start3A_1077 = tpu.memref_squeeze %dma_start3A_1076 : memref<1x16xf32, #tpu.memory_space<hbm>> -> memref<16xf32, #tpu.memory_space<hbm>>
        %dma_start3A_1078 = arith.constant 0 : i32
        %dma_start3A_1079 = tpu.memref_slice %arg5[%add3A, %dma_start3A_1078] : memref<16x16xf32, #tpu.memory_space<hbm>> -> memref<1x16xf32, #tpu.memory_space<hbm>>
        %dma_start3A_1080 = tpu.memref_squeeze %dma_start3A_1079 : memref<1x16xf32, #tpu.memory_space<hbm>> -> memref<16xf32, #tpu.memory_space<hbm>>
        tpu.enqueue_dma source(%arg9 : memref<16xf32, #tpu.memory_space<vmem>>) target(%dma_start3A_1080 : memref<16xf32, #tpu.memory_space<hbm>>) target_semaphore(%run_scoped3A : memref<!tpu.dma_semaphore, #tpu.memory_space<semaphore_mem>>)
        %dma_wait3A_1081 = arith.constant 0 : i32
        %dma_wait3A_1082 = tpu.memref_slice %arg5[%add3A, %dma_wait3A_1081] : memref<16x16xf32, #tpu.memory_space<hbm>> -> memref<1x16xf32, #tpu.memory_space<hbm>>
        %dma_wait3A_1083 = tpu.memref_squeeze %dma_wait3A_1082 : memref<1x16xf32, #tpu.memory_space<hbm>> -> memref<16xf32, #tpu.memory_space<hbm>>
        %dma_wait3A_1084 = arith.constant 0 : i32
        %dma_wait3A_1085 = tpu.memref_slice %arg5[%add3A, %dma_wait3A_1084] : memref<16x16xf32, #tpu.memory_space<hbm>> -> memref<1x16xf32, #tpu.memory_space<hbm>>
        %dma_wait3A_1086 = tpu.memref_squeeze %dma_wait3A_1085 : memref<1x16xf32, #tpu.memory_space<hbm>> -> memref<16xf32, #tpu.memory_space<hbm>>
        tpu.wait_dma2 semaphore(%run_scoped3A : memref<!tpu.dma_semaphore, #tpu.memory_space<semaphore_mem>>) src(%arg9 : memref<16xf32, #tpu.memory_space<vmem>>) dst(%dma_wait3A_1086 : memref<16xf32, #tpu.memory_space<hbm>>)
        tpu.yield
      }) : () -> ()
    } else {
    }
    %ge3A = arith.constant 15 : i32
    %ge3A_14 = arith.cmpi sge, %add3A, %ge3A : i32
    %convert_element_type3A_15 = arith.extui %ge3A_14 : i1 to i32
    %cond3A_16 = arith.constant 0 : i32
    %cond3A_17 = arith.cmpi ne, %convert_element_type3A_15, %cond3A_16 : i32
    scf.if %cond3A_17 {
      %broadcast_in_dim3A = arith.constant 0.000000e+00 : f32
      %broadcast_in_dim3A_18 = vector.broadcast %broadcast_in_dim3A : f32 to vector<16xf32>
      %swap3A = arith.constant 0 : index
      %swap3A_19 = tpu.vector_load %arg9[%swap3A] {strides = array<i32>} : memref<16xf32, #tpu.memory_space<vmem>>, vector<16xf32>,
      %swap3A_20 = vector.shape_cast %swap3A_19 : vector<16xf32> to vector<16xf32>
      %swap3A_21 = vector.shape_cast %broadcast_in_dim3A_18 : vector<16xf32> to vector<16xf32>
      tpu.vector_store %arg9[%swap3A], %swap3A_21 {strides = array<i32>} : memref<16xf32, #tpu.memory_space<vmem>>, vector<16xf32>,
      "tpu.region"() ({
        %run_scoped3A = tpu.sem_alloc : memref<!tpu.dma_semaphore, #tpu.memory_space<semaphore_mem>>
        %dma_start3A = arith.constant 0 : i32
        %dma_start3A_22 = tpu.memref_slice %arg5[%add3A, %dma_start3A] : memref<16x16xf32, #tpu.memory_space<hbm>> -> memref<1x16xf32, #tpu.memory_space<hbm>>
        %dma_start3A_23 = tpu.memref_squeeze %dma_start3A_22 : memref<1x16xf32, #tpu.memory_space<hbm>> -> memref<16xf32, #tpu.memory_space<hbm>>
        %dma_start3A_24 = arith.constant 0 : i32
        %dma_start3A_25 = tpu.memref_slice %arg5[%add3A, %dma_start3A_24] : memref<16x16xf32, #tpu.memory_space<hbm>> -> memref<1x16xf32, #tpu.memory_space<hbm>>
        %dma_start3A_26 = tpu.memref_squeeze %dma_start3A_25 : memref<1x16xf32, #tpu.memory_space<hbm>> -> memref<16xf32, #tpu.memory_space<hbm>>
        tpu.enqueue_dma source(%arg9 : memref<16xf32, #tpu.memory_space<vmem>>) target(%dma_start3A_26 : memref<16xf32, #tpu.memory_space<hbm>>) target_semaphore(%run_scoped3A : memref<!tpu.dma_semaphore, #tpu.memory_space<semaphore_mem>>)
        %dma_wait3A = arith.constant 0 : i32
        %dma_wait3A_27 = tpu.memref_slice %arg5[%add3A, %dma_wait3A] : memref<16x16xf32, #tpu.memory_space<hbm>> -> memref<1x16xf32, #tpu.memory_space<hbm>>
        %dma_wait3A_28 = tpu.memref_squeeze %dma_wait3A_27 : memref<1x16xf32, #tpu.memory_space<hbm>> -> memref<16xf32, #tpu.memory_space<hbm>>
        %dma_wait3A_29 = arith.constant 0 : i32
        %dma_wait3A_30 = tpu.memref_slice %arg5[%add3A, %dma_wait3A_29] : memref<16x16xf32, #tpu.memory_space<hbm>> -> memref<1x16xf32, #tpu.memory_space<hbm>>
        %dma_wait3A_31 = tpu.memref_squeeze %dma_wait3A_30 : memref<1x16xf32, #tpu.memory_space<hbm>> -> memref<16xf32, #tpu.memory_space<hbm>>
        tpu.wait_dma2 semaphore(%run_scoped3A : memref<!tpu.dma_semaphore, #tpu.memory_space<semaphore_mem>>) src(%arg9 : memref<16xf32, #tpu.memory_space<vmem>>) dst(%dma_wait3A_31 : memref<16xf32, #tpu.memory_space<hbm>>)
        tpu.yield
      }) : () -> ()
    } else {
    }
    return
  }
}

</mosaic_0001>

<sc_bundles>
// kernel: _sc_partials.3.cloned.1.call-start
scs
__scs_entry_jumppad:
0x0: {  	(pc) =	sbr.rel $0x88, $3  }
0x1: {  	(tag) =	ssettag $0x0;
	lr =	simm.s32 $0x1  }
0x2: {  	[smem:$0x3F9E] =	sst lr;
	_ =	strace $0xD0000000  }
0x3: {  	_ = 	snop  }
0x4: {  	_ = 	snop  }
0x5: {  	_ = 	snop  }
0x6: {  	_ = 	snop  }
0x7: {  	_ = 	snop  }
__scs_overlays_trampoline_lowered:
0x8: {  	[smem:$0x3FAD] =	sst s0  }
0x9: {  	[smem:$0x3FAE] =	sst s1  }
0xa: {  	[smem:$0x3FAF] =	sst s2  }
0xb: {  	[smem:$0x3FB0] =	sst s3  }
0xc: {  	[smem:$0x3FB1] =	sst s4  }
0xd: {  	[smem:$0x3FB2] =	sst s5  }
0xe: {  	[smem:$0x3FB3] =	sst s6  }
0xf: {  	[smem:$0x3FB4] =	sst s7  }
0x10: {  	[smem:$0x3FB5] =	sst s8  }
0x11: {  	[smem:$0x3FB6] =	sst s9;
	s0 =	simm.s32 @!p0 $0x0  }
0x12: {  	s1 =	sld [smem:$0x3F9C];
	s0 =	simm.s32 @p0 $0x1  }
0x13: {  	[smem:$0x3FB7] =	sst s0;
	s0 =	simm.s32 @!p1 $0x0  }
0x14: {  	s2 =	sld [smem:$0x3F9B];
	s0 =	simm.s32 @p1 $0x1  }
0x15: {  	[smem:$0x3FB8] =	sst s0;
	s0 =	simm.s32 @!p2 $0x0  }
0x16: {  	s3 =	sld [smem:$0x3FDB];
	s0 =	simm.s32 @p2 $0x1  }
0x17: {  	s4 =	simm.s32 $0x1BF5;
	[smem:$0x3FBA] =	sst s0  }
0x18: {  	s0 =	sld [smem:$0x3F9D];
	_ =	swait.ge [sflag:s4], $0x0  }
0x19: {  	s7 =	sld [smem:$0x3F9E]  }
0x1a: {  	s8 =	sadd.s32 $0xFFFFE003, lr  }
0x1b: {  	s9 =	sadd.s32 $0xFFFFFEF7, lr;
	s5 =	simm.s32 $0xFFFFFFFF;
	p2 =	slt.u32 s8, $0xFFFFF086  }
0x1c: {  	p1 =	slt.u32 s9, $0xF7A;
	s5 =	simm.s32 @!p2 $0x0  }
0x1d: {  	s5 =	simm.s32 @p1 $0x1;
	p0 =	seq.s32 s7, s2  }
0x1e: {  	s7 =	smul.u32 @!p0 $0xF7A, s2;
	p2 =	seq.s32 @!p0 s5, $0x0  }
0x1f: {  	s9 =	smul.u32 $0xF7A, s1;
	s8 =	simm.s32 @!p0 $0x1BF5;
	p2 =	por !p2, p0  }
0x20: {  	[sflag:s8] =	ssyncset.s32 @!p0 $0xFFFFF086;
	s6 =	sadd.s32 @!p0 s3, s7;
	s7 =	simm.s32 @!p0 $0x108  }
0x21: {  	s3 =	sadd.s32 s3, s9;
	s6 =	sadd.s32 @!p0 $0x88, s6;
	s7 =	simm.s32 @p2 $0x1082  }
0x22: {  	[simem:s7], [sflag:s8] =	dma.local @!p0 [hbm:s6], $0xF7A  }
0x23: {  	s9 =	sor.u32 $0xD0000000, s2;
	s6 =	simm.s32 $0x108;
	_ =	swait.ge @!p0 [sflag:s8], $0x0  }
0x24: {  	s3 =	sadd.s32 $0x88, s3;
	s6 =	simm.s32 @!p1 $0x1082;
	[sflag:s4] =	ssyncset.s32 $0xFFFFF086  }
0x25: {  	[simem:s6], [sflag:s4] =	dma.local [hbm:s3], $0xF7A  }
0x26: {  	[smem:$0x3F9E] =	sst s1;
	(tag) =	ssettag s2;
	_ =	strace s9  }
0x27: {  	s1 =	sld [smem:$0x3FAE]  }
0x28: {  	s2 =	sld [smem:$0x3FAF]  }
0x29: {  	s4 =	sld [smem:$0x3FB1]  }
0x2a: {  	p0 =	seq.s32 s5, $0x0;
	s5 =	sld [smem:$0x3FB2]  }
0x2b: {  	s6 =	sld [smem:$0x3FB3]  }
0x2c: {  	s7 =	sld [smem:$0x3FB4]  }
0x2d: {  	s3 =	simm.s32 $0x108;
	s8 =	sld [smem:$0x3FB5]  }
0x2e: {  	s3 =	simm.s32 @!p0 $0x1082;
	s9 =	sld [smem:$0x3FB6]  }
0x2f: {  	lr =	sadd.s32 s0, s3;
	s0 =	sld [smem:$0x3FAD]  }
0x30: {  	s3 =	sld [smem:$0x3FB0]  }
0x31: {  	[smem:$0x3FB9] =	sst s10  }
0x32: {  	s10 =	sld [smem:$0x3FB7];
	_ =	sdelay $0x3  }
0x33: {  	p0 =	seq.s32 s10, $0x1;
	s10 =	sld [smem:$0x3FB9];
	_ =	sdelay $0x3  }
0x34: {  	[smem:$0x3FB9] =	sst s10  }
0x35: {  	s10 =	sld [smem:$0x3FB8];
	_ =	sdelay $0x3  }
0x36: {  	p1 =	seq.s32 s10, $0x1;
	s10 =	sld [smem:$0x3FB9];
	_ =	sdelay $0x3  }
0x37: {  	[smem:$0x3FB9] =	sst s10  }
0x38: {  	s10 =	sld [smem:$0x3FBA]  }
0x39: {  	_ = 	snop;
	(pc) =	sbr.ind lr, $3  }
0x3a: {  	_ = 	snop  }
0x3b: {  	_ = 	snop  }
0x3c: {  	p2 =	seq.s32 s10, $0x1;
	s10 =	sld [smem:$0x3FB9]  }
0x3d: {  	_ =	shalt  }
0x3e: {  	_ =	shalt  }
0x3f: {  	_ =	shalt  }
0x40: {  	_ =	shalt  }
0x41: {  	_ =	shalt  }
0x42: {  	_ =	shalt  }
0x43: {  	_ =	shalt  }
0x44: {  	_ =	shalt  }
0x45: {  	_ =	shalt  }
0x46: {  	_ =	shalt  }
0x47: {  	_ =	shalt  }
0x48: {  	_ =	shalt  }
0x49: {  	_ =	shalt  }
0x4a: {  	_ =	shalt  }
0x4b: {  	_ =	shalt  }
0x4c: {  	_ =	shalt  }
0x4d: {  	_ =	shalt  }
0x4e: {  	_ =	shalt  }
0x4f: {  	_ =	shalt  }
0x50: {  	_ =	shalt  }
0x51: {  	_ =	shalt  }
0x52: {  	_ =	shalt  }
0x53: {  	_ =	shalt  }
0x54: {  	_ =	shalt  }
0x55: {  	_ =	shalt  }
0x56: {  	_ =	shalt  }
0x57: {  	_ =	shalt  }
0x58: {  	_ =	shalt  }
0x59: {  	_ =	shalt  }
0x5a: {  	_ =	shalt  }
0x5b: {  	_ =	shalt  }
0x5c: {  	_ =	shalt  }
0x5d: {  	_ =	shalt  }
0x5e: {  	_ =	shalt  }
0x5f: {  	_ =	shalt  }
0x60: {  	_ =	shalt  }
0x61: {  	_ =	shalt  }
0x62: {  	_ =	shalt  }
0x63: {  	_ =	shalt  }
0x64: {  	_ =	shalt  }
0x65: {  	_ =	shalt  }
0x66: {  	_ =	shalt  }
0x67: {  	_ =	shalt  }
0x68: {  	_ =	shalt  }
0x69: {  	_ =	shalt  }
0x6a: {  	_ =	shalt  }
0x6b: {  	_ =	shalt  }
0x6c: {  	_ =	shalt  }
0x6d: {  	_ =	shalt  }
0x6e: {  	_ =	shalt  }
0x6f: {  	_ =	shalt  }
0x70: {  	_ =	shalt  }
0x71: {  	_ =	shalt  }
0x72: {  	_ =	shalt  }
0x73: {  	_ =	shalt  }
0x74: {  	_ =	shalt  }
0x75: {  	_ =	shalt  }
0x76: {  	_ =	shalt  }
0x77: {  	_ =	shalt  }
0x78: {  	_ =	shalt  }
0x79: {  	_ =	shalt  }
0x7a: {  	_ =	shalt  }
0x7b: {  	_ =	shalt  }
0x7c: {  	_ =	shalt  }
0x7d: {  	_ =	shalt  }
0x7e: {  	_ =	shalt  }
0x7f: {  	_ =	shalt  }
0x80: {  	_ =	shalt  }
0x81: {  	_ =	shalt  }
0x82: {  	_ =	shalt  }
0x83: {  	_ =	shalt  }
0x84: {  	_ =	shalt  }
0x85: {  	_ =	shalt  }
0x86: {  	_ =	shalt  }
0x87: {  	_ =	shalt  }
.Lfunc_end0:
.L_simem_size_0:
called_computation_lowered:
.L_overlay_start_0:
0x88: {  	s0 =	sld [smem:$0x3FD9]  }
0x89: {  	s1 =	sld [smem:$0x3FFE];
	_ =	sdelay $0x3  }
0x8a: {  	s0 =	sadd.s32 s1, s0  }
0x8b: {  	[smem:$0x3FC5] =	sst s0  }
0x8c: {  	_ = 	snop  }
0x8d: {  	s0 =	sld [smem:$0x3FC9]  }
0x8e: {  	s17 =	sld [smem:$0x3FC8]  }
0x8f: {  	s2 =	sld [smem:$0x3FC7]  }
0x90: {  	s3 =	sld [smem:$0x3FD0];
	(tm) =	ssettm $0x1  }
0x91: {  	s4 =	sld [smem:$0x3FFB];
	_ =	sdelay $0x3  }
0x92: {  	_ =	strace s4  }
0x93: {  	s4 =	sld [smem:$0x3FFC];
	_ =	sdelay $0x3  }
0x94: {  	_ =	strace s4  }
0x95: {  	s4 =	sld [smem:$0x3FFD];
	_ =	sdelay $0x3  }
0x96: {  	_ =	strace s4  }
0x97: {  	_ =	strace $0x8FFFFFFF  }
0x98: {  	s18 =	sld [smem:$0x3FDB];
	_ =	sdelay $0x1  }
0x99: {  	s5 =	simm.s32 $_scs_section_size  }
0x9a: {  	s6 =	simm.s32 $_size__tile_overlayer_lowered;
	s7 =	simm.s32 $_tile_overlayer_lowered  }
0x9b: {  	s21 =	simm.s32 $0x1BFF;
	s20 =	sshll.u32 s7, $0x1;
	s4 =	sadd.s32 s5, s18  }
0x9c: {  	s8 =	simm.s32 $0x0;
	s19 =	sshll.u32 s6, $0x1;
	s6 =	sadd.s32 s20, s4  }
0x9d: {  	[timem:s8], [sflag:s21] =	dma.local [hbm:s6], s19  }
0x9e: {  	_ =	swait.ge [sflag:s21], s19  }
0x9f: {  	s5 =	ssub.s32 $0x0, s19;
	[sflag:s21] =	ssyncset.done $0x0  }
0xa0: {  	[sflag:s21] =	ssyncadd.s32 s5;
	_ =	sdelay $0x1  }
0xa1: {  	s22 =	simm.s32 $0x1B8B  }
0xa2: {  	_ =	swait.ge [sflag:s22], $0x1  }
0xa3: {  	[sflag:s22] =	ssyncset.done $0x0  }
0xa4: {  	s23 =	simm.s32 $0x1B8E;
	[sflag:s22] =	ssyncadd.s32 $0xFFFFFFFF  }
0xa5: {  	s24 =	simm.s32 $execute0_lowered;
	[smem:$0x3FD2] =	sst s23  }
0xa6: {  	s5 =	sshll.u32 s24, $0x1;
	_ =	strace $0x80000046;
	[dreg:$0x1] =	wrdreg $0xFFFFFFFF  }
0xa7: {  	s25 =	simm.s32 $_size_execute0_lowered;
	s4 =	sadd.s32 s4, s5;
	[dreg:$0x0] =	wrdreg $0x0  }
0xa8: {  	s5 =	sshll.u32 s25, $0x1;
	[dreg:$0x2] =	wrdreg s4  }
0xa9: {  	[dreg:$0x3] =	wrdreg s5  }
0xaa: {  	[dreg:$0x4] =	wrdreg $0xC0  }
0xab: {  	_ =	task [dreg:s8], $0x5FFFF  }
0xac: {  	[dreg:$0x1] =	wrdreg $0xFFFFFFFF  }
0xad: {  	[dreg:$0x0] =	wrdreg $0x60  }
0xae: {  	[dreg:$0x2] =	wrdreg s0  }
0xaf: {  	[dreg:$0x3] =	wrdreg s17  }
0xb0: {  	[dreg:$0x4] =	wrdreg s2  }
0xb1: {  	[dreg:$0x5] =	wrdreg s3  }
0xb2: {  	[dreg:$0x6] =	wrdreg $0x9  }
0xb3: {  	_ =	task.clear_ibuf [dreg:s8], $0x7FFFF;
	_ =	strace $0x90000046  }
0xb4: {  	s26 =	simm.s32 $0x9;
	_ =	strace $0x80000048  }
0xb5: {  	_ =	swait.ge [sflag:s26], $0x1  }
0xb6: {  	[sflag:s26] =	ssyncadd.s32 $0xFFFFFFFF  }
0xb7: {  	_ =	strace $0x90000048  }
0xb8: {  	_ =	sfence  }
0xb9: {  	s28 =	sld [smem:$0x0];
	_ =	sdelay $0x1  }
0xba: {  	s29 =	srdreg.scid  }
0xbb: {  	s30 =	sshll.u32 s29, $0xD;
	s31 =	sshrl.u32 s29, $0x2  }
0xbc: {  	s1 =	sand.u32 $0x1, s29;
	s2 =	sand.u32 $0x4000, s30;
	s0 =	sadd.s32 s31, s28  }
0xbd: {  	s1 =	sor.u32 s2, s1;
	s0 =	sshll.u32 s0, $0x11  }
0xbe: {  	s0 =	sor.u32 s0, s1  }
0xbf: {  	s0 =	sadd.s32 $0x8F2B, s0  }
0xc0: {  	[sflag:s0] =	ssyncadd.remote.s32 $0x1  }
0xc1: {  	_ =	sfence.sel $0xFFFF  }
0xc2: {  	[dreg:$0x0] =	wrdreg $0xFFFFFFFF;
	(pc) =	sbr.abs _section_cstart, $3  }
0xc3: {  	[dreg:$0x1] =	wrdreg $0xFFFFFFFF  }
0xc4: {  	_ =	task.clear_ibuf [dreg:s8], $0x2FFFF;
	_ =	strace $0x9FFFFFFF  }
0xc5: {  	(tm) =	ssettm $0x7FFFFFFF  }
tec
execute0_lowered:
.L_overlay_start_1:
0x0: {  	(tag) =	ssettag $0x1  }
0x1: {  	s4 =	rddreg [dreg:$0x0]  }
0x2: {  	s6 =	rddreg [dreg:$0x1]  }
0x3: {  	s5 =	rddreg [dreg:$0x2];
	s0 =	stileid.u32  }
0x4: {  	s3 =	rddreg [dreg:$0x3];
	p0 =	sgt.u32 s0, $0xD  }
0x5: {  	s1 =	rddreg [dreg:$0x4];
	s2 =	simm.s32 $0x0;
	s7 =	smul.u32 @!p0 $0xC0, s0  }
0x6: {  	[smem:$0x7FF] =	sst s2  }
0x7: {  	_ =	strace $0x80000047;
	s9 =	simm.s32 @!p0 $0x0;
	s8 =	sadd.s32 @!p0 s6, s7  }
0x8: {  	[tilespmem:s9], [sflag:$0x2] =	stream.linear.gather @!p0 [hbm4b:s8+s9], $0x600, $0x38;
	[tilespmem:$0x1480] =	vst v63  }
0x9: {  	s8 =	simm.s32 @!p0 $0x2  }
0xa: {  	_ =	swait.ge @!p0 [sflag:s8], $0x600  }
0xb: {  	[sflag:s8] =	ssyncset.done @!p0 $0x0  }
0xc: {  	s10 =	simm.s32 @!p0 $0x600;
	s7 =	sadd.s32 @!p0 s5, s7;
	[sflag:s8] =	ssyncadd.s32 @!p0 $0xFFFFFA00  }
0xd: {  	[tilespmem:s10], [sflag:$0x2] =	stream.linear.gather @!p0 [hbm4b:s7+s9], $0x600, $0x38;
	[tilespmem:$0x1480] =	vst v63  }
0xe: {  	_ =	swait.ge @!p0 [sflag:s8], $0x600  }
0xf: {  	[sflag:s8] =	ssyncset.done @!p0 $0x0  }
0x10: {  	s7 =	simm.s32 @!p0 $0x80;
	[sflag:s8] =	ssyncadd.s32 @!p0 $0xFFFFFA00;
	s8 =	simm.s32 @!p0 $0xC00  }
0x11: {  	[tilespmem:s8], [sflag:$0x1] =	stream.indirect.gather @!p0 [hbm4b:s4+s7], $0x1, s9, s7, $0xb8;
	[tilespmem:$0x1480] =	vst v63  }
0x12: {  	s8 =	simm.s32 @!p0 $0xC80  }
0x13: {  	[tilespmem:s8], [sflag:$0x1] =	stream.indirect.gather @!p0 [hbm4b:s4+s7], $0x1, s7, s7, $0xb8;
	[tilespmem:$0x1480] =	vst v63  }
0x14: {  	s9 =	simm.s32 @!p0 $0xD00;
	s8 =	simm.s32 @!p0 $0x100  }
0x15: {  	[tilespmem:s9], [sflag:$0x1] =	stream.indirect.gather @!p0 [hbm4b:s4+s7], $0x1, s8, s7, $0xb8;
	[tilespmem:$0x1480] =	vst v63  }
0x16: {  	s8 =	simm.s32 @!p0 $0x180;
	s9 =	simm.s32 @!p0 $0xD80  }
0x17: {  	[tilespmem:s9], [sflag:$0x1] =	stream.indirect.gather @!p0 [hbm4b:s4+s7], $0x1, s8, s7, $0xb8;
	[tilespmem:$0x1480] =	vst v63  }
0x18: {  	s8 =	simm.s32 @!p0 $0x200;
	s9 =	simm.s32 @!p0 $0xE00  }
0x19: {  	[tilespmem:s9], [sflag:$0x1] =	stream.indirect.gather @!p0 [hbm4b:s4+s7], $0x1, s8, s7, $0xb8;
	[tilespmem:$0x1480] =	vst v63  }
0x1a: {  	s8 =	simm.s32 @!p0 $0x280;
	s9 =	simm.s32 @!p0 $0xE80  }
0x1b: {  	[tilespmem:s9], [sflag:$0x1] =	stream.indirect.gather @!p0 [hbm4b:s4+s7], $0x1, s8, s7, $0xb8;
	[tilespmem:$0x1480] =	vst v63  }
0x1c: {  	s8 =	simm.s32 @!p0 $0x300;
	s9 =	simm.s32 @!p0 $0xF00  }
0x1d: {  	[tilespmem:s9], [sflag:$0x1] =	stream.indirect.gather @!p0 [hbm4b:s4+s7], $0x1, s8, s7, $0xb8;
	[tilespmem:$0x1480] =	vst v63  }
0x1e: {  	s8 =	simm.s32 @!p0 $0x380;
	s9 =	simm.s32 @!p0 $0xF80  }
0x1f: {  	[tilespmem:s9], [sflag:$0x1] =	stream.indirect.gather @!p0 [hbm4b:s4+s7], $0x1, s8, s7, $0xb8;
	[tilespmem:$0x1480] =	vst v63  }
0x20: {  	s8 =	simm.s32 @!p0 $0x400;
	s9 =	simm.s32 @!p0 $0x1000  }
0x21: {  	[tilespmem:s9], [sflag:$0x1] =	stream.indirect.gather @!p0 [hbm4b:s4+s7], $0x1, s8, s7, $0xb8;
	[tilespmem:$0x1480] =	vst v63  }
0x22: {  	s8 =	simm.s32 @!p0 $0x480;
	s9 =	simm.s32 @!p0 $0x1080  }
0x23: {  	[tilespmem:s9], [sflag:$0x1] =	stream.indirect.gather @!p0 [hbm4b:s4+s7], $0x1, s8, s7, $0xb8;
	[tilespmem:$0x1480] =	vst v63  }
0x24: {  	s8 =	simm.s32 @!p0 $0x500;
	s9 =	simm.s32 @!p0 $0x1100  }
0x25: {  	[tilespmem:s9], [sflag:$0x1] =	stream.indirect.gather @!p0 [hbm4b:s4+s7], $0x1, s8, s7, $0xb8;
	[tilespmem:$0x1480] =	vst v63  }
0x26: {  	s8 =	simm.s32 @!p0 $0x580;
	s9 =	simm.s32 @!p0 $0x1180  }
0x27: {  	[tilespmem:s9], [sflag:$0x1] =	stream.indirect.gather @!p0 [hbm4b:s4+s7], $0x1, s8, s7, $0xb8;
	[tilespmem:$0x1480] =	vst v63  }
0x28: {  	p0 =	seq.s32 s0, $0xF  }
.Ltmp0:
0x29: {  	_ = 	snop;
	(pc) =	sbr.rel @p0 .LBB2_1-.Ltmp0, $1  }
0x2a: {  	_ =	sdelay $0x3  }
0x2b: {  	p0 =	sne.s32 s0, $0xE  }
0x2c: {  	s6 =	sadd.s32 $0xA80, s6;
	s7 =	simm.s32 @!p0 $0x0  }
0x2d: {  	[tilespmem:s7], [sflag:$0x2] =	stream.linear.gather @!p0 [hbm4b:s6+s7], $0x580, $0x38;
	[tilespmem:$0x1480] =	vst v63  }
0x2e: {  	s6 =	simm.s32 @!p0 $0x2  }
0x2f: {  	_ =	swait.ge @!p0 [sflag:s6], $0x580  }
0x30: {  	[sflag:s6] =	ssyncset.done @!p0 $0x0  }
0x31: {  	s5 =	sadd.s32 $0xA80, s5;
	s8 =	simm.s32 @!p0 $0x600;
	[sflag:s6] =	ssyncadd.s32 @!p0 $0xFFFFFA80  }
0x32: {  	[tilespmem:s8], [sflag:$0x2] =	stream.linear.gather @!p0 [hbm4b:s5+s7], $0x580, $0x38;
	[tilespmem:$0x1480] =	vst v63  }
0x33: {  	_ =	swait.ge @!p0 [sflag:s6], $0x580  }
0x34: {  	[sflag:s6] =	ssyncset.done @!p0 $0x0  }
0x35: {  	v0 =	vimm.f32 @!p0 $0.0e+00;
	[sflag:s6] =	ssyncadd.s32 @!p0 $0xFFFFFA80  }
0x36: {  	[tilespmem:$0xB80] =	vst @!p0 v0  }
0x37: {  	[tilespmem:$0xB90] =	vst @!p0 v0  }
0x38: {  	[tilespmem:$0xBA0] =	vst @!p0 v0  }
0x39: {  	[tilespmem:$0xBB0] =	vst @!p0 v0  }
0x3a: {  	[tilespmem:$0xBC0] =	vst @!p0 v0  }
0x3b: {  	[tilespmem:$0xBD0] =	vst @!p0 v0  }
0x3c: {  	[tilespmem:$0xBE0] =	vst @!p0 v0  }
0x3d: {  	s5 =	simm.s32 @!p0 $0x80;
	s6 =	simm.s32 @!p0 $0xC00;
	[tilespmem:$0xBF0] =	vst @!p0 v0  }
0x3e: {  	[tilespmem:s6], [sflag:$0x1] =	stream.indirect.gather @!p0 [hbm4b:s4+s5], $0x1, s7, s5, $0xb8;
	[tilespmem:$0x1480] =	vst v63  }
0x3f: {  	s6 =	simm.s32 @!p0 $0xC80  }
0x40: {  	[tilespmem:s6], [sflag:$0x1] =	stream.indirect.gather @!p0 [hbm4b:s4+s5], $0x1, s5, s5, $0xb8;
	[tilespmem:$0x1480] =	vst v63  }
0x41: {  	s7 =	simm.s32 @!p0 $0xD00;
	s6 =	simm.s32 @!p0 $0x100  }
0x42: {  	[tilespmem:s7], [sflag:$0x1] =	stream.indirect.gather @!p0 [hbm4b:s4+s5], $0x1, s6, s5, $0xb8;
	[tilespmem:$0x1480] =	vst v63  }
0x43: {  	s6 =	simm.s32 @!p0 $0x180;
	s7 =	simm.s32 @!p0 $0xD80  }
0x44: {  	[tilespmem:s7], [sflag:$0x1] =	stream.indirect.gather @!p0 [hbm4b:s4+s5], $0x1, s6, s5, $0xb8;
	[tilespmem:$0x1480] =	vst v63  }
0x45: {  	s6 =	simm.s32 @!p0 $0x200;
	s7 =	simm.s32 @!p0 $0xE00  }
0x46: {  	[tilespmem:s7], [sflag:$0x1] =	stream.indirect.gather @!p0 [hbm4b:s4+s5], $0x1, s6, s5, $0xb8;
	[tilespmem:$0x1480] =	vst v63  }
0x47: {  	s6 =	simm.s32 @!p0 $0x280;
	s7 =	simm.s32 @!p0 $0xE80  }
0x48: {  	[tilespmem:s7], [sflag:$0x1] =	stream.indirect.gather @!p0 [hbm4b:s4+s5], $0x1, s6, s5, $0xb8;
	[tilespmem:$0x1480] =	vst v63  }
0x49: {  	s6 =	simm.s32 @!p0 $0x300;
	s7 =	simm.s32 @!p0 $0xF00  }
0x4a: {  	[tilespmem:s7], [sflag:$0x1] =	stream.indirect.gather @!p0 [hbm4b:s4+s5], $0x1, s6, s5, $0xb8;
	[tilespmem:$0x1480] =	vst v63  }
0x4b: {  	s6 =	simm.s32 @!p0 $0x380;
	s7 =	simm.s32 @!p0 $0xF80  }
0x4c: {  	[tilespmem:s7], [sflag:$0x1] =	stream.indirect.gather @!p0 [hbm4b:s4+s5], $0x1, s6, s5, $0xb8;
	[tilespmem:$0x1480] =	vst v63  }
0x4d: {  	s6 =	simm.s32 @!p0 $0x400;
	s7 =	simm.s32 @!p0 $0x1000  }
0x4e: {  	[tilespmem:s7], [sflag:$0x1] =	stream.indirect.gather @!p0 [hbm4b:s4+s5], $0x1, s6, s5, $0xb8;
	[tilespmem:$0x1480] =	vst v63  }
0x4f: {  	s6 =	simm.s32 @!p0 $0x480;
	s7 =	simm.s32 @!p0 $0x1080  }
0x50: {  	[tilespmem:s7], [sflag:$0x1] =	stream.indirect.gather @!p0 [hbm4b:s4+s5], $0x1, s6, s5, $0xb8;
	[tilespmem:$0x1480] =	vst v63  }
0x51: {  	s6 =	simm.s32 @!p0 $0x500;
	s7 =	simm.s32 @!p0 $0x1100  }
0x52: {  	[tilespmem:s7], [sflag:$0x1] =	stream.indirect.gather @!p0 [hbm4b:s4+s5], $0x1, s6, s5, $0xb8;
	[tilespmem:$0x1480] =	vst v63  }
0x53: {  	s30 =	simm.s32 $0x1;
	s7 =	simm.s32 @!p0 $0x1180  }
0x54: {  	[tilespmem:s7], [sflag:$0x1] =	stream.indirect.gather @!p0 [hbm4b:s4+s5], $0x1, s6, s5, $0xb8;
	[tilespmem:$0x1480] =	vst v63  }
0x55: {  	_ =	swait.ge [sflag:s30], $0x80  }
0x56: {  	[sflag:s30] =	ssyncset.done $0x0  }
0x57: {  	[sflag:s30] =	ssyncadd.s32 $0xFFFFFF80  }
0x58: {  	v0 =	vld [tilespmem:$0xC00]  }
0x59: {  	v1 =	vld [tilespmem:$0x600]  }
0x5a: {  	v2 =	vld [tilespmem:$0xC10]  }
0x5b: {  	v3 =	vld [tilespmem:$0x610]  }
0x5c: {  	v4 =	vld [tilespmem:$0xC20]  }
0x5d: {  	v5 =	vld [tilespmem:$0x620]  }
0x5e: {  	v6 =	vld [tilespmem:$0xC30]  }
0x5f: {  	v7 =	vld [tilespmem:$0x630]  }
0x60: {  	v8 =	vld [tilespmem:$0xC40]  }
0x61: {  	v9 =	vld [tilespmem:$0x640]  }
0x62: {  	v10 =	vld [tilespmem:$0xC50]  }
0x63: {  	v11 =	vld [tilespmem:$0x650]  }
0x64: {  	v12 =	vld [tilespmem:$0xC60]  }
0x65: {  	v13 =	vld [tilespmem:$0x660]  }
0x66: {  	v14 =	vld [tilespmem:$0xC70]  }
0x67: {  	v15 =	vld [tilespmem:$0x670];
	_ =	swait.ge [sflag:s30], $0x80  }
0x68: {  	[sflag:s30] =	ssyncset.done $0x0  }
0x69: {  	[sflag:s30] =	ssyncadd.s32 $0xFFFFFF80  }
0x6a: {  	v16 =	vld [tilespmem:$0xC80]  }
0x6b: {  	v17 =	vld [tilespmem:$0x680]  }
0x6c: {  	v18 =	vld [tilespmem:$0xC90]  }
0x6d: {  	v19 =	vld [tilespmem:$0x690]  }
0x6e: {  	v20 =	vld [tilespmem:$0xCA0]  }
0x6f: {  	v21 =	vld [tilespmem:$0x6A0]  }
0x70: {  	v22 =	vld [tilespmem:$0xCB0]  }
0x71: {  	v23 =	vld [tilespmem:$0x6B0]  }
0x72: {  	v24 =	vld [tilespmem:$0xCC0]  }
0x73: {  	v25 =	vld [tilespmem:$0x6C0]  }
0x74: {  	v26 =	vld [tilespmem:$0xCD0];
	v0 =	vmul.f32 v1, v0  }
0x75: {  	v27 =	vld [tilespmem:$0x6D0]  }
0x76: {  	v28 =	vld [tilespmem:$0xCE0];
	v2 =	vmul.f32 v3, v2;
	v0 =	vadd.f32 $0.0e+00, v0  }
0x77: {  	v29 =	vld [tilespmem:$0x6E0]  }
0x78: {  	v30 =	vld [tilespmem:$0xCF0];
	v0 =	vadd.f32 v2, v0;
	v2 =	vmul.f32 v5, v4  }
0x79: {  	v31 =	vld [tilespmem:$0x6F0];
	_ =	swait.ge [sflag:s30], $0x80  }
0x7a: {  	[sflag:s30] =	ssyncset.done $0x0;
	v0 =	vadd.f32 v2, v0;
	v2 =	vmul.f32 v7, v6  }
0x7b: {  	[sflag:s30] =	ssyncadd.s32 $0xFFFFFF80  }
0x7c: {  	v32 =	vld [tilespmem:$0xD00];
	v0 =	vadd.f32 v2, v0;
	v2 =	vmul.f32 v9, v8  }
0x7d: {  	v1 =	vld [tilespmem:$0x700]  }
0x7e: {  	v33 =	vld [tilespmem:$0xD10];
	v0 =	vadd.f32 v2, v0;
	v2 =	vmul.f32 v11, v10  }
0x7f: {  	v3 =	vld [tilespmem:$0x710]  }
0x80: {  	v34 =	vld [tilespmem:$0xD20];
	v0 =	vadd.f32 v2, v0;
	v2 =	vmul.f32 v13, v12  }
0x81: {  	v42 =	vld [tilespmem:$0x720]  }
0x82: {  	v43 =	vld [tilespmem:$0xD30];
	v0 =	vadd.f32 v2, v0;
	v2 =	vmul.f32 v15, v14  }
0x83: {  	v44 =	vld [tilespmem:$0x730]  }
0x84: {  	v45 =	vld [tilespmem:$0xD40];
	v0 =	vadd.f32 v2, v0;
	v2 =	vmul.f32 v17, v16  }
0x85: {  	v46 =	vld [tilespmem:$0x740]  }
0x86: {  	v47 =	vld [tilespmem:$0xD50];
	v0 =	vadd.f32 v2, v0;
	v2 =	vmul.f32 v19, v18  }
0x87: {  	v48 =	vld [tilespmem:$0x750]  }
0x88: {  	v49 =	vld [tilespmem:$0xD60];
	v0 =	vadd.f32 v2, v0;
	v2 =	vmul.f32 v21, v20  }
0x89: {  	v50 =	vld [tilespmem:$0x760]  }
0x8a: {  	v51 =	vld [tilespmem:$0xD70];
	v0 =	vadd.f32 v2, v0;
	v2 =	vmul.f32 v23, v22  }
0x8b: {  	v52 =	vld [tilespmem:$0x770];
	_ =	swait.ge [sflag:s30], $0x80  }
0x8c: {  	[sflag:s30] =	ssyncset.done $0x0;
	v0 =	vadd.f32 v2, v0;
	v2 =	vmul.f32 v25, v24  }
0x8d: {  	[sflag:s30] =	ssyncadd.s32 $0xFFFFFF80  }
0x8e: {  	v53 =	vld [tilespmem:$0xD80];
	v0 =	vadd.f32 v2, v0;
	v2 =	vmul.f32 v27, v26  }
0x8f: {  	v54 =	vld [tilespmem:$0x780]  }
0x90: {  	v55 =	vld [tilespmem:$0xD90];
	v0 =	vadd.f32 v2, v0;
	v2 =	vmul.f32 v29, v28  }
0x91: {  	v56 =	vld [tilespmem:$0x790]  }
0x92: {  	v57 =	vld [tilespmem:$0xDA0];
	v0 =	vadd.f32 v2, v0;
	v2 =	vmul.f32 v31, v30  }
0x93: {  	v58 =	vld [tilespmem:$0x7A0]  }
0x94: {  	v59 =	vld [tilespmem:$0xDB0];
	v1 =	vmul.f32 v1, v32;
	v0 =	vadd.f32 v2, v0  }
0x95: {  	v60 =	vld [tilespmem:$0x7B0]  }
0x96: {  	v61 =	vld [tilespmem:$0xDC0];
	v0 =	vadd.f32 v1, v0;
	v1 =	vmul.f32 v3, v33  }
0x97: {  	v62 =	vld [tilespmem:$0x7C0]  }
0x98: {  	v63 =	vld [tilespmem:$0xDD0];
	v0 =	vadd.f32 v1, v0;
	v1 =	vmul.f32 v42, v34  }
0x99: {  	v35 =	vld [tilespmem:$0x7D0]  }
0x9a: {  	v36 =	vld [tilespmem:$0xDE0];
	v0 =	vadd.f32 v1, v0;
	v1 =	vmul.f32 v44, v43  }
0x9b: {  	v37 =	vld [tilespmem:$0x7E0]  }
0x9c: {  	v38 =	vld [tilespmem:$0x7F0];
	v0 =	vadd.f32 v1, v0;
	v1 =	vmul.f32 v46, v45  }
0x9d: {  	v2 =	vld [tilespmem:$0xDF0];
	_ =	swait.ge [sflag:s30], $0x80  }
0x9e: {  	[sflag:s30] =	ssyncset.done $0x0;
	v0 =	vadd.f32 v1, v0;
	v1 =	vmul.f32 v48, v47  }
0x9f: {  	[sflag:s30] =	ssyncadd.s32 $0xFFFFFF80  }
0xa0: {  	v3 =	vld [tilespmem:$0xE00];
	v0 =	vadd.f32 v1, v0;
	v1 =	vmul.f32 v50, v49  }
0xa1: {  	v39 =	vld [tilespmem:$0x800]  }
0xa2: {  	v40 =	vld [tilespmem:$0xE10];
	v0 =	vadd.f32 v1, v0;
	v1 =	vmul.f32 v52, v51  }
0xa3: {  	v41 =	vld [tilespmem:$0x810]  }
0xa4: {  	v42 =	vld [tilespmem:$0xE20];
	v0 =	vadd.f32 v1, v0;
	v1 =	vmul.f32 v54, v53  }
0xa5: {  	v43 =	vld [tilespmem:$0x820]  }
0xa6: {  	v44 =	vld [tilespmem:$0xE30];
	v0 =	vadd.f32 v1, v0;
	v1 =	vmul.f32 v56, v55  }
0xa7: {  	v45 =	vld [tilespmem:$0x830]  }
0xa8: {  	v46 =	vld [tilespmem:$0xE40];
	v0 =	vadd.f32 v1, v0;
	v1 =	vmul.f32 v58, v57  }
0xa9: {  	v47 =	vld [tilespmem:$0x840]  }
0xaa: {  	v48 =	vld [tilespmem:$0xE50];
	v0 =	vadd.f32 v1, v0;
	v1 =	vmul.f32 v60, v59  }
0xab: {  	v49 =	vld [tilespmem:$0x850]  }
0xac: {  	v50 =	vld [tilespmem:$0xE60];
	v0 =	vadd.f32 v1, v0;
	v1 =	vmul.f32 v62, v61  }
0xad: {  	v51 =	vld [tilespmem:$0x860]  }
0xae: {  	v52 =	vld [tilespmem:$0xE70];
	v0 =	vadd.f32 v1, v0;
	v1 =	vmul.f32 v35, v63  }
0xaf: {  	v53 =	vld [tilespmem:$0x870];
	_ =	swait.ge [sflag:s30], $0x80  }
0xb0: {  	[sflag:s30] =	ssyncset.done $0x0;
	v0 =	vadd.f32 v1, v0;
	v1 =	vmul.f32 v37, v36  }
0xb1: {  	[sflag:s30] =	ssyncadd.s32 $0xFFFFFF80  }
0xb2: {  	v54 =	vld [tilespmem:$0xE80];
	v0 =	vadd.f32 v1, v0;
	v1 =	vmul.f32 v38, v2  }
0xb3: {  	v55 =	vld [tilespmem:$0x880]  }
0xb4: {  	v56 =	vld [tilespmem:$0xE90];
	v0 =	vadd.f32 v1, v0;
	v1 =	vmul.f32 v39, v3  }
0xb5: {  	v26 =	vld [tilespmem:$0xEE0]  }
0xb6: {  	v27 =	vld [tilespmem:$0x8E0];
	v0 =	vadd.f32 v1, v0;
	v1 =	vmul.f32 v41, v40  }
0xb7: {  	v28 =	vld [tilespmem:$0xEF0]  }
0xb8: {  	v29 =	vld [tilespmem:$0x8F0];
	v0 =	vadd.f32 v1, v0;
	v1 =	vmul.f32 v43, v42  }
0xb9: {  	v57 =	vld [tilespmem:$0x890]  }
0xba: {  	v58 =	vld [tilespmem:$0xEA0];
	v0 =	vadd.f32 v1, v0;
	v1 =	vmul.f32 v45, v44  }
0xbb: {  	v59 =	vld [tilespmem:$0x8A0]  }
0xbc: {  	v60 =	vld [tilespmem:$0x8B0];
	v0 =	vadd.f32 v1, v0;
	v1 =	vmul.f32 v47, v46  }
0xbd: {  	v61 =	vld [tilespmem:$0x8C0]  }
0xbe: {  	v62 =	vld [tilespmem:$0xED0];
	v0 =	vadd.f32 v1, v0;
	v1 =	vmul.f32 v49, v48  }
0xbf: {  	v63 =	vld [tilespmem:$0x8D0]  }
0xc0: {  	v2 =	vld [tilespmem:$0xEB0];
	v0 =	vadd.f32 v1, v0;
	v1 =	vmul.f32 v51, v50  }
0xc1: {  	v3 =	vld [tilespmem:$0xEC0];
	_ =	swait.ge [sflag:s30], $0x80  }
0xc2: {  	[sflag:s30] =	ssyncset.done $0x0;
	v0 =	vadd.f32 v1, v0;
	v1 =	vmul.f32 v53, v52  }
0xc3: {  	[sflag:s30] =	ssyncadd.s32 $0xFFFFFF80  }
0xc4: {  	v30 =	vld [tilespmem:$0xF00];
	v0 =	vadd.f32 v1, v0;
	v1 =	vmul.f32 v55, v54  }
0xc5: {  	v31 =	vld [tilespmem:$0x900]  }
0xc6: {  	v32 =	vld [tilespmem:$0xF10];
	v0 =	vadd.f32 v1, v0;
	v1 =	vmul.f32 v57, v56  }
0xc7: {  	v33 =	vld [tilespmem:$0x910]  }
0xc8: {  	v34 =	vld [tilespmem:$0xF20];
	v0 =	vadd.f32 v1, v0;
	v1 =	vmul.f32 v59, v58  }
0xc9: {  	v35 =	vld [tilespmem:$0x920]  }
0xca: {  	v36 =	vld [tilespmem:$0xF30];
	v0 =	vadd.f32 v1, v0;
	v1 =	vmul.f32 v60, v2  }
0xcb: {  	v37 =	vld [tilespmem:$0x930]  }
0xcc: {  	v38 =	vld [tilespmem:$0xF40];
	v0 =	vadd.f32 v1, v0;
	v1 =	vmul.f32 v61, v3  }
0xcd: {  	v39 =	vld [tilespmem:$0x940]  }
0xce: {  	v40 =	vld [tilespmem:$0xF50];
	v0 =	vadd.f32 v1, v0;
	v1 =	vmul.f32 v63, v62  }
0xcf: {  	v41 =	vld [tilespmem:$0xF60]  }
0xd0: {  	v42 =	vld [tilespmem:$0xF70];
	v0 =	vadd.f32 v1, v0;
	v1 =	vmul.f32 v27, v26  }
0xd1: {  	v43 =	vld [tilespmem:$0x970]  }
0xd2: {  	v2 =	vld [tilespmem:$0x950];
	v0 =	vadd.f32 v1, v0;
	v1 =	vmul.f32 v29, v28  }
0xd3: {  	v3 =	vld [tilespmem:$0x960];
	_ =	swait.ge [sflag:s30], $0x80  }
0xd4: {  	[sflag:s30] =	ssyncset.done $0x0;
	v0 =	vadd.f32 v1, v0;
	v1 =	vmul.f32 v31, v30  }
0xd5: {  	[sflag:s30] =	ssyncadd.s32 $0xFFFFFF80  }
0xd6: {  	v44 =	vld [tilespmem:$0xF80];
	v0 =	vadd.f32 v1, v0;
	v1 =	vmul.f32 v33, v32  }
0xd7: {  	v45 =	vld [tilespmem:$0x980]  }
0xd8: {  	v46 =	vld [tilespmem:$0xF90];
	v0 =	vadd.f32 v1, v0;
	v1 =	vmul.f32 v35, v34  }
0xd9: {  	v47 =	vld [tilespmem:$0x990]  }
0xda: {  	v48 =	vld [tilespmem:$0xFA0];
	v0 =	vadd.f32 v1, v0;
	v1 =	vmul.f32 v37, v36  }
0xdb: {  	v49 =	vld [tilespmem:$0x9A0]  }
0xdc: {  	v50 =	vld [tilespmem:$0xFB0];
	v0 =	vadd.f32 v1, v0;
	v1 =	vmul.f32 v39, v38  }
0xdd: {  	v51 =	vld [tilespmem:$0x9B0]  }
0xde: {  	v52 =	vld [tilespmem:$0xFC0];
	v0 =	vadd.f32 v1, v0;
	v1 =	vmul.f32 v2, v40  }
0xdf: {  	v53 =	vld [tilespmem:$0x9C0]  }
0xe0: {  	v54 =	vld [tilespmem:$0xFD0];
	v0 =	vadd.f32 v1, v0;
	v1 =	vmul.f32 v3, v41  }
0xe1: {  	v55 =	vld [tilespmem:$0x9D0]  }
0xe2: {  	v56 =	vld [tilespmem:$0x9E0];
	v0 =	vadd.f32 v1, v0;
	v1 =	vmul.f32 v43, v42  }
0xe3: {  	v57 =	vld [tilespmem:$0x9F0]  }
0xe4: {  	v2 =	vld [tilespmem:$0xFE0];
	v0 =	vadd.f32 v1, v0;
	v1 =	vmul.f32 v45, v44  }
0xe5: {  	v3 =	vld [tilespmem:$0xFF0];
	_ =	swait.ge [sflag:s30], $0x80  }
0xe6: {  	[sflag:s30] =	ssyncset.done $0x0;
	v0 =	vadd.f32 v1, v0;
	v1 =	vmul.f32 v47, v46  }
0xe7: {  	[sflag:s30] =	ssyncadd.s32 $0xFFFFFF80  }
0xe8: {  	v58 =	vld [tilespmem:$0x1000];
	v0 =	vadd.f32 v1, v0;
	v1 =	vmul.f32 v49, v48  }
0xe9: {  	v59 =	vld [tilespmem:$0xA00]  }
0xea: {  	v60 =	vld [tilespmem:$0x1010];
	v0 =	vadd.f32 v1, v0;
	v1 =	vmul.f32 v51, v50  }
0xeb: {  	v61 =	vld [tilespmem:$0xA10]  }
0xec: {  	v62 =	vld [tilespmem:$0x1020];
	v0 =	vadd.f32 v1, v0;
	v1 =	vmul.f32 v53, v52  }
0xed: {  	v63 =	vld [tilespmem:$0xA20]  }
0xee: {  	v20 =	vld [tilespmem:$0x1030];
	v0 =	vadd.f32 v1, v0;
	v1 =	vmul.f32 v55, v54  }
0xef: {  	v21 =	vld [tilespmem:$0xA30]  }
0xf0: {  	v22 =	vld [tilespmem:$0x1040];
	v0 =	vadd.f32 v1, v0;
	v1 =	vmul.f32 v56, v2  }
0xf1: {  	v23 =	vld [tilespmem:$0xA40]  }
0xf2: {  	v24 =	vld [tilespmem:$0x1050];
	v0 =	vadd.f32 v1, v0;
	v1 =	vmul.f32 v57, v3  }
0xf3: {  	v25 =	vld [tilespmem:$0x1060]  }
0xf4: {  	v26 =	vld [tilespmem:$0x1070];
	v0 =	vadd.f32 v1, v0;
	v1 =	vmul.f32 v59, v58  }
0xf5: {  	v27 =	vld [tilespmem:$0xA70]  }
0xf6: {  	v2 =	vld [tilespmem:$0xA50];
	v0 =	vadd.f32 v1, v0;
	v1 =	vmul.f32 v61, v60  }
0xf7: {  	v3 =	vld [tilespmem:$0xA60];
	_ =	swait.ge [sflag:s30], $0x80  }
0xf8: {  	[sflag:s30] =	ssyncset.done $0x0;
	v0 =	vadd.f32 v1, v0;
	v1 =	vmul.f32 v63, v62  }
0xf9: {  	[sflag:s30] =	ssyncadd.s32 $0xFFFFFF80  }
0xfa: {  	v28 =	vld [tilespmem:$0x1080];
	v0 =	vadd.f32 v1, v0;
	v1 =	vmul.f32 v21, v20  }
0xfb: {  	v29 =	vld [tilespmem:$0xA80]  }
0xfc: {  	v30 =	vld [tilespmem:$0x1090];
	v0 =	vadd.f32 v1, v0;
	v1 =	vmul.f32 v23, v22  }
0xfd: {  	v31 =	vld [tilespmem:$0xA90]  }
0xfe: {  	v32 =	vld [tilespmem:$0x10A0];
	v0 =	vadd.f32 v1, v0;
	v1 =	vmul.f32 v2, v24  }
0xff: {  	v33 =	vld [tilespmem:$0xAA0]  }
0x100: {  	v34 =	vld [tilespmem:$0xAB0];
	v0 =	vadd.f32 v1, v0;
	v1 =	vmul.f32 v3, v25  }
0x101: {  	v35 =	vld [tilespmem:$0xAC0]  }
0x102: {  	v36 =	vld [tilespmem:$0x10D0];
	v0 =	vadd.f32 v1, v0;
	v1 =	vmul.f32 v27, v26  }
0x103: {  	v37 =	vld [tilespmem:$0xAD0]  }
0x104: {  	v38 =	vld [tilespmem:$0x10E0];
	v0 =	vadd.f32 v1, v0;
	v1 =	vmul.f32 v29, v28  }
0x105: {  	v2 =	vld [tilespmem:$0x10B0]  }
0x106: {  	v39 =	vld [tilespmem:$0xAE0];
	v0 =	vadd.f32 v1, v0;
	v1 =	vmul.f32 v31, v30  }
0x107: {  	v3 =	vld [tilespmem:$0x10C0]  }
0x108: {  	v40 =	vld [tilespmem:$0x10F0];
	v0 =	vadd.f32 v1, v0;
	v1 =	vmul.f32 v33, v32  }
0x109: {  	v41 =	vld [tilespmem:$0xAF0];
	_ =	swait.ge [sflag:s30], $0x80  }
0x10a: {  	[sflag:s30] =	ssyncset.done $0x0;
	v0 =	vadd.f32 v1, v0;
	v1 =	vmul.f32 v34, v2  }
0x10b: {  	[sflag:s30] =	ssyncadd.s32 $0xFFFFFF80  }
0x10c: {  	v42 =	vld [tilespmem:$0x1110];
	v0 =	vadd.f32 v1, v0;
	v1 =	vmul.f32 v35, v3  }
0x10d: {  	v43 =	vld [tilespmem:$0xB10]  }
0x10e: {  	v2 =	vld [tilespmem:$0x1100];
	v0 =	vadd.f32 v1, v0;
	v1 =	vmul.f32 v37, v36  }
0x10f: {  	v3 =	vld [tilespmem:$0xB00]  }
0x110: {  	v44 =	vld [tilespmem:$0x1120];
	v0 =	vadd.f32 v1, v0;
	v1 =	vmul.f32 v39, v38  }
0x111: {  	v45 =	vld [tilespmem:$0xB20]  }
0x112: {  	v46 =	vld [tilespmem:$0x1130];
	v0 =	vadd.f32 v1, v0;
	v1 =	vmul.f32 v41, v40  }
0x113: {  	v47 =	vld [tilespmem:$0xB30]  }
0x114: {  	v48 =	vld [tilespmem:$0x1140];
	v0 =	vadd.f32 v1, v0;
	v1 =	vmul.f32 v3, v2  }
0x115: {  	v49 =	vld [tilespmem:$0xB50]  }
0x116: {  	v50 =	vld [tilespmem:$0x1160];
	v0 =	vadd.f32 v1, v0;
	v1 =	vmul.f32 v43, v42  }
0x117: {  	v2 =	vld [tilespmem:$0xB40]  }
0x118: {  	v51 =	vld [tilespmem:$0xB60];
	v0 =	vadd.f32 v1, v0;
	v1 =	vmul.f32 v45, v44  }
0x119: {  	v3 =	vld [tilespmem:$0x1150]  }
0x11a: {  	v52 =	vld [tilespmem:$0x1170];
	v0 =	vadd.f32 v1, v0;
	v1 =	vmul.f32 v47, v46  }
0x11b: {  	v53 =	vld [tilespmem:$0xB70];
	_ =	swait.ge [sflag:s30], $0x80  }
0x11c: {  	[sflag:s30] =	ssyncset.done $0x0;
	v0 =	vadd.f32 v1, v0;
	v1 =	vmul.f32 v2, v48  }
0x11d: {  	[sflag:s30] =	ssyncadd.s32 $0xFFFFFF80  }
0x11e: {  	v2 =	vld [tilespmem:$0x1180];
	v0 =	vadd.f32 v1, v0;
	v1 =	vmul.f32 v49, v3  }
0x11f: {  	v3 =	vld [tilespmem:$0xB80]  }
0x120: {  	v54 =	vld [tilespmem:$0x1190];
	v0 =	vadd.f32 v1, v0;
	v1 =	vmul.f32 v51, v50  }
0x121: {  	v55 =	vld [tilespmem:$0xB90]  }
0x122: {  	v56 =	vld [tilespmem:$0x11A0];
	v0 =	vadd.f32 v1, v0;
	v1 =	vmul.f32 v53, v52  }
0x123: {  	v57 =	vld [tilespmem:$0xBA0]  }
0x124: {  	v0 =	vadd.f32 v1, v0;
	v1 =	vmul.f32 v3, v2;
	v2 =	vld [tilespmem:$0x11B0]  }
0x125: {  	v3 =	vld [tilespmem:$0xBB0]  }
0x126: {  	v58 =	vld [tilespmem:$0x11C0];
	v0 =	vadd.f32 v1, v0;
	v1 =	vmul.f32 v55, v54  }
0x127: {  	v59 =	vld [tilespmem:$0xBC0]  }
0x128: {  	v60 =	vld [tilespmem:$0x11D0];
	v0 =	vadd.f32 v1, v0;
	v1 =	vmul.f32 v57, v56  }
0x129: {  	v61 =	vld [tilespmem:$0xBD0]  }
0x12a: {  	v0 =	vadd.f32 v1, v0;
	v1 =	vmul.f32 v3, v2;
	v2 =	vld [tilespmem:$0x11E0]  }
0x12b: {  	v3 =	vld [tilespmem:$0xBE0]  }
0x12c: {  	v62 =	vld [tilespmem:$0x11F0];
	v0 =	vadd.f32 v1, v0;
	v1 =	vmul.f32 v59, v58  }
0x12d: {  	v63 =	vld [tilespmem:$0xBF0]  }
0x12e: {  	v0 =	vadd.f32 v1, v0;
	v1 =	vmul.f32 v61, v60;
	_ =	sdelay $0x1  }
.Ltmp1:
0x12f: {  	v0 =	vadd.f32 v1, v0;
	v1 =	vmul.f32 v3, v2;
	(pc) =	sbr.rel .LBB2_3-.Ltmp1, $4  }
0x130: {  	_ = 	snop  }
0x131: {  	v0 =	vadd.f32 v1, v0;
	v1 =	vmul.f32 v63, v62  }
0x132: {  	s31 =	sshll.u32 s0, $0x4  }
0x133: {  	s3 =	sadd.s32 s3, s31;
	v0 =	vadd.f32 v1, v0  }
.LBB2_1:
0x134: {  	s3 =	sadd.s32 $0xF0, s3;
	v0 =	vimm.f32 $0.0e+00  }
.LBB2_3:
0x135: {  	_ = 	snop  }
0x136: {  	s4 =	simm.s32 $0x1400;
	s31 =	simm.s32 $0x2;
	[tilespmem:$0x1400] =	vst v0  }
0x137: {  	[hbm4b:s3+s2] =	stream.linear.scatter [tilespmem:s4], [sflag:$0x2], $0x80, $0x38;
	[tilespmem:$0x1480] =	vst v63  }
0x138: {  	_ =	swait.ge [sflag:s31], $0x80  }
0x139: {  	[sflag:s31] =	ssyncset.done $0x0  }
0x13a: {  	[sflag:s31] =	ssyncadd.s32 $0xFFFFFF80  }
0x13b: {  	_ =	sfence.sel $0x180000  }
0x13c: {  	[bflag:$0x0] =	sbarrier.arrive $0xFFFF  }
0x13d: {  	p0 =	sne.s32 s0, $0x0;
	_ =	strace $0x90000047  }
0x13e: {  	s0 =	sadd.s32 @!p0 $0x100000, s1;
	[bflag:$0x2] =	sbarrier.arrive $0xFFFF  }
0x13f: {  	[sflag:s0] =	ssyncadd.tile.s32 @!p0 $0x1;
	_ =	shalt  }
.Lfunc_end2:
_tile_overlayer_lowered:
.L_overlay_start_2:
0x140: {  	(tag) =	ssettag $0x2  }
0x141: {  	s0 =	rddreg [dreg:$0x0];
	s2 =	stileid.u32  }
0x142: {  	s1 =	rddreg [dreg:$0x1];
	p0 =	sne.s32 s2, $0x0  }
0x143: {  	s3 =	rddreg [dreg:$0x2];
	[bflag:$0x3] =	sbarrier.arrive $0xFFFF;
	s2 =	simm.s32 @!p0 $0x1C02  }
0x144: {  	[timem:s3], [sflag:s2] =	dma.local @!p0 [hbm:s0], s1  }
0x145: {  	s0 =	simm.s32 @!p0 $0x2  }
0x146: {  	_ =	swait.ge @!p0 [sflag:s0], s1  }
0x147: {  	s1 =	ssub.s32 @!p0 $0x0, s1;
	[sflag:s0] =	ssyncset.done @!p0 $0x0  }
0x148: {  	[sflag:s0] =	ssyncadd.s32 @!p0 s1  }
0x149: {  	[bflag:$0x3] =	sbarrier.arrive $0xFFFF  }
0x14a: {  	_ =	shalt  }

</sc_bundles>
